<compile_context>
chip_gen: v7x
topology: tpu7x:2x2x1
jax: 0.10.2.dev20260603
libtpu: 0.0.44.dev20260713+nightly
codegen_flags: <defaults>
</compile_context>

<pallas_src>
import dataclasses

import jax
import jax.numpy as jnp
from jax import lax
from jax.experimental import pallas as pl
from jax.experimental.pallas import tpu as pltpu
from jax.experimental.pallas import tpu_sc as plsc

B = 4
D = 10000
N = 160000
DP = 10240
NC = 2
NS = 16
WPB = 8
TPW = N // WPB
SEG = DP // WPB
CH = 400


def _sc_kernel(x_hbm, pairs_hbm, vals_hbm, out_hbm,
               x_v, y_v, pairs_v, vals_v, red_in, red_out, shared):
    c = lax.axis_index("core")
    s = lax.axis_index("subcore")
    batch_local = s // WPB
    chunk = s % WPB
    b = c * 2 + batch_local

    pltpu.sync_copy(x_hbm.at[pl.ds(b * D, D)], x_v)
    pltpu.sync_copy(vals_hbm.at[pl.ds(b * N + chunk * TPW, TPW)], vals_v)

    zero16 = jnp.zeros((16,), jnp.float32)

    @pl.loop(0, DP, step=128)
    def _zero(i):
        for k in range(8):
            y_v[pl.ds(i + k * 16, 16)] = zero16

    iota = lax.iota(jnp.int32, 16)
    col0 = jnp.zeros((16,), jnp.int32)
    col1 = jnp.ones((16,), jnp.int32)
    onef = jnp.float32(1.0)

    @pl.loop(0, TPW, step=CH)
    def _outer(n0):
        pltpu.sync_copy(pairs_hbm.at[b, pl.ds(chunk * TPW + n0, CH)], pairs_v)

        @plsc.parallel_loop(0, CH, step=16, unroll=8)
        def _body(tt):
            t = n0 + tt
            rows = iota + tt
            ri = plsc.load_gather(pairs_v, [rows, col0])
            rj = plsc.load_gather(pairs_v, [rows, col1])
            v = vals_v[pl.ds(t, 16)]

            fj = rj.astype(jnp.int32)
            fracj = rj - fj.astype(jnp.float32)
            hasj = fracj > 0.0
            cj = fj + hasj.astype(jnp.int32)
            wfj = onef - fracj
            wcj = jnp.where(hasj, fracj, onef)

            fi = ri.astype(jnp.int32)
            fraci = ri - fi.astype(jnp.float32)
            hasi = fraci > 0.0
            ci = fi + hasi.astype(jnp.int32)
            wfi = onef - fraci
            wci = jnp.where(hasi, fraci, onef)

            xf = plsc.load_gather(x_v, [fj])
            xc = plsc.load_gather(x_v, [cj])
            g = v * (wfj * xf + wcj * xc)
            plsc.addupdate_scatter(y_v, [fi], wfi * g)
            plsc.addupdate_scatter(y_v, [ci], wci * g)

    pltpu.sync_copy(y_v, shared.at[s])
    plsc.subcore_barrier()

    batch_r = s // WPB
    seg_r = s % WPB
    row0 = batch_r * WPB
    colb = seg_r * SEG
    pltpu.sync_copy(shared.at[pl.ds(row0, WPB), pl.ds(colb, SEG)], red_in)

    @pl.loop(0, SEG, step=16)
    def _red(i):
        acc = red_in[0, pl.ds(i, 16)]
        for k in range(1, WPB):
            acc = acc + red_in[k, pl.ds(i, 16)]
        red_out[pl.ds(i, 16)] = acc

    pltpu.sync_copy(red_out,
                    out_hbm.at[pl.ds((c * 2 + batch_r) * DP + colb, SEG)])


def kernel(input, real_indices, real_values):
    mesh = plsc.VectorSubcoreMesh(core_axis_name="core",
                                  subcore_axis_name="subcore",
                                  num_cores=NC, num_subcores=NS)
    cp = pltpu.CompilerParams()
    if "needs_layout_passes" in pltpu.CompilerParams.__dataclass_fields__:
        cp = dataclasses.replace(cp, needs_layout_passes=False)
    run = pl.kernel(
        _sc_kernel,
        out_type=jax.ShapeDtypeStruct((B * DP,), jnp.float32),
        mesh=mesh,
        compiler_params=cp,
        scratch_types=[
            pltpu.VMEM((D,), jnp.float32),
            pltpu.VMEM((DP,), jnp.float32),
            pltpu.VMEM((CH, 2), jnp.float32),
            pltpu.VMEM((TPW,), jnp.float32),
            pltpu.VMEM((WPB, SEG), jnp.float32),
            pltpu.VMEM((SEG,), jnp.float32),
            pltpu.VMEM_SHARED((NS, DP), jnp.float32),
        ],
    )
    y = run(input.reshape(-1), real_indices, real_values.reshape(-1))
    return y.reshape(B, DP)[:, :D]

# --- scband reference (transcript-rebuilt; emitter-appended) ---
"""Pipeline reference for scband-hyper-layer-50972671869236 (READ-ONLY COPY).

The authoritative reference and input builder live on the scoring server;
editing this copy changes nothing except your own understanding.
"""

import jax, jax.numpy as jnp
import numpy as np
import itertools

B = 4
D = 10000   # prod(in_shape) == prod(out_shape) == 10000
N = 160000  # number of real-valued index tuples produced by the hypernetwork
RANK = 2    # in_rank (1) + len(out_shape) (1)


def setup_inputs(seed: int = 0) -> dict:
    key = jax.random.key(seed)
    k1, k2, k3 = jax.random.split(key, 3)
    x = jax.random.normal(k1, (B, D), dtype=jnp.float32)
    # hypernetwork outputs (treated as materialized params/inputs):
    # real-valued index tuples in [0, D-2] so floor/ceil stay in range
    real_indices = jax.random.uniform(k2, (B, N, RANK), dtype=jnp.float32) * (D - 2)
    real_values = jax.random.normal(k3, (B, N), dtype=jnp.float32)
    return {"input": x, "real_indices": real_indices, "real_values": real_values}


def _discretize(ind, val):
    # Faithful (intended) semantics of discretize(): distribute each real-valued
    # index tuple over its 2^rank integer corner tuples with multilinear weights.
    Bs, n, rank = ind.shape
    combos = jnp.asarray(np.array(list(itertools.product([True, False], repeat=rank))))  # (2^rank, rank)
    fl = jnp.floor(ind)
    ce = jnp.ceil(ind)
    ints = jnp.where(combos[None, None, :, :], fl[:, :, None, :], ce[:, :, None, :])  # (B, n, 2^rank, rank)
    diffs = ints - ind[:, :, None, :]
    props = jnp.prod(1.0 - jnp.abs(diffs), axis=3)  # (B, n, 2^rank)
    vals = jnp.broadcast_to(val[:, :, None], props.shape)
    ints = ints.reshape(Bs, -1, rank)
    return ints.astype(jnp.int32), props.reshape(Bs, -1), vals.reshape(Bs, -1)


def reference(input, real_indices, real_values):
    Bs = input.shape[0]
    ints, props, vals = _discretize(real_indices, real_values)
    # flatten_indices with in_shape=(D,), out_shape=(D,) and rank 2: fi() is identity per column
    i_idx = ints[:, :, 0]  # destination index into y_flat (as in original cache()/forward())
    j_idx = ints[:, :, 1]  # source index into x_flat
    x_flat = input.reshape(Bs, -1)
    gathered = jnp.take_along_axis(x_flat, j_idx, axis=1)
    contrib = props * vals * gathered
    y_flat = jax.vmap(lambda seg, c: jax.ops.segment_sum(c, seg, num_segments=D))(i_idx, contrib)
    return y_flat  # y shape (B,) + out_shape = (B, D)

if __name__ == "__main__":
    import jax
    _d = setup_inputs()
    print(jax.jit(kernel)(*tuple(_d.values())))

</pallas_src>

<mosaic_0001>
#map = affine_map<(d0, d1) -> (0)>
#map1 = affine_map<(d0, d1) -> (0, 0, 0)>
module attributes {stable_mosaic.version = 14 : i64} {
  func.func @_sc_kernel(%arg0: i32, %arg1: i32, %arg2: memref<40000xf32, #tpu.memory_space<hbm>>, %arg3: memref<4x160000x2xf32, #tpu.memory_space<hbm>>, %arg4: memref<640000xf32, #tpu.memory_space<hbm>>, %arg5: memref<40960xf32, #tpu.memory_space<hbm>>, %arg6: memref<10000xf32, #tpu.memory_space<vmem>>, %arg7: memref<10240xf32, #tpu.memory_space<vmem>>, %arg8: memref<400x2xf32, #tpu.memory_space<vmem>>, %arg9: memref<20000xf32, #tpu.memory_space<vmem>>, %arg10: memref<8x1280xf32, #tpu.memory_space<vmem>>, %arg11: memref<1280xf32, #tpu.memory_space<vmem>>, %arg12: memref<16x10240xf32, #tpu.memory_space<vmem_shared>>) attributes {dimension_semantics = [#tpu.dimension_semantics<core_parallel>, #tpu.dimension_semantics<subcore_parallel>], iteration_bounds = array<i64: 2, 16>, scalar_prefetch = 0 : i64, scratch_operands = 7 : i64, tpu.core_type = #tpu.core_type<sc_vector_subcore>, window_params = [{transform_indices = #map}, {transform_indices = #map1}, {transform_indices = #map}, {transform_indices = #map}]} {
    %jit3A = arith.constant 8 : i32
    %div3A = arith.divsi %arg1, %jit3A : i32
    %sign3A = arith.constant 0 : i32
    %sign3A_0 = arith.cmpi sgt, %arg1, %sign3A : i32
    %sign3A_1 = arith.extui %sign3A_0 : i1 to i32
    %sign3A_2 = arith.constant 0 : i32
    %sign3A_3 = arith.cmpi slt, %arg1, %sign3A_2 : i32
    %sign3A_4 = arith.extui %sign3A_3 : i1 to i32
    %sign3A_5 = arith.subi %sign3A_1, %sign3A_4 : i32
    %sign3A_6 = arith.constant 0 : i32
    %sign3A_7 = arith.cmpi sgt, %jit3A, %sign3A_6 : i32
    %sign3A_8 = arith.extui %sign3A_7 : i1 to i32
    %sign3A_9 = arith.constant 0 : i32
    %sign3A_10 = arith.cmpi slt, %jit3A, %sign3A_9 : i32
    %sign3A_11 = arith.extui %sign3A_10 : i1 to i32
    %sign3A_12 = arith.subi %sign3A_8, %sign3A_11 : i32
    %ne3A = arith.cmpi ne, %sign3A_5, %sign3A_12 : i32
    %rem3A = arith.remsi %arg1, %jit3A : i32
    %ne3A_13 = arith.constant 0 : i32
    %ne3A_14 = arith.cmpi ne, %rem3A, %ne3A_13 : i32
    %and3A = arith.andi %ne3A, %ne3A_14 : i1
    %sub3A = arith.constant 1 : i32
    %sub3A_15 = arith.subi %div3A, %sub3A : i32
    %select_n3A = arith.select %and3A, %sub3A_15, %div3A : i32
    %jit3A_16 = arith.constant 8 : i32
    %eq3A = arith.constant 0 : i32
    %eq3A_17 = arith.cmpi eq, %jit3A_16, %eq3A : i32
    %jit3A_18 = arith.constant 1 : i32
    %select_n3A_19 = arith.select %eq3A_17, %jit3A_18, %jit3A_16 : i32
    %rem3A_20 = arith.remsi %arg1, %select_n3A_19 : i32
    %ne3A_21 = arith.constant 0 : i32
    %ne3A_22 = arith.cmpi ne, %rem3A_20, %ne3A_21 : i32
    %lt3A = arith.constant 0 : i32
    %lt3A_23 = arith.cmpi slt, %rem3A_20, %lt3A : i32
    %lt3A_24 = arith.constant 0 : i32
    %lt3A_25 = arith.cmpi slt, %select_n3A_19, %lt3A_24 : i32
    %ne3A_26 = arith.xori %lt3A_23, %lt3A_25 : i1
    %and3A_27 = arith.andi %ne3A_26, %ne3A_22 : i1
    %add3A = arith.addi %rem3A_20, %select_n3A_19 : i32
    %select_n3A_28 = arith.select %and3A_27, %add3A, %rem3A_20 : i32
    %mul3A = arith.constant 2 : i32
    %mul3A_29 = arith.muli %arg0, %mul3A : i32
    %add3A_30 = arith.addi %mul3A_29, %select_n3A : i32
    %mul3A_31 = arith.constant 10000 : i32
    %mul3A_32 = arith.muli %add3A_30, %mul3A_31 : i32
    "tpu.region"() ({
      %run_scoped3A = tpu.sem_alloc : memref<!tpu.dma_semaphore, #tpu.memory_space<semaphore_mem>>
      %dma_start3A = tpu.memref_slice %arg2[%mul3A_32] : memref<40000xf32, #tpu.memory_space<hbm>> -> memref<10000xf32, #tpu.memory_space<hbm>>
      %dma_start3A_108 = tpu.memref_slice %arg2[%mul3A_32] : memref<40000xf32, #tpu.memory_space<hbm>> -> memref<10000xf32, #tpu.memory_space<hbm>>
      tpu.enqueue_dma source(%dma_start3A_108 : memref<10000xf32, #tpu.memory_space<hbm>>) target(%arg6 : memref<10000xf32, #tpu.memory_space<vmem>>) target_semaphore(%run_scoped3A : memref<!tpu.dma_semaphore, #tpu.memory_space<semaphore_mem>>)
      %dma_wait3A = tpu.memref_slice %arg2[%mul3A_32] : memref<40000xf32, #tpu.memory_space<hbm>> -> memref<10000xf32, #tpu.memory_space<hbm>>
      %dma_wait3A_109 = tpu.memref_slice %arg2[%mul3A_32] : memref<40000xf32, #tpu.memory_space<hbm>> -> memref<10000xf32, #tpu.memory_space<hbm>>
      tpu.wait_dma2 semaphore(%run_scoped3A : memref<!tpu.dma_semaphore, #tpu.memory_space<semaphore_mem>>) src(%dma_wait3A_109 : memref<10000xf32, #tpu.memory_space<hbm>>) dst(%arg6 : memref<10000xf32, #tpu.memory_space<vmem>>)
      tpu.yield
    }) : () -> ()
    %mul3A_33 = arith.constant 160000 : i32
    %mul3A_34 = arith.muli %add3A_30, %mul3A_33 : i32
    %mul3A_35 = arith.constant 20000 : i32
    %mul3A_36 = arith.muli %select_n3A_28, %mul3A_35 : i32
    %add3A_37 = arith.addi %mul3A_34, %mul3A_36 : i32
    "tpu.region"() ({
      %run_scoped3A = tpu.sem_alloc : memref<!tpu.dma_semaphore, #tpu.memory_space<semaphore_mem>>
      %dma_start3A = tpu.memref_slice %arg4[%add3A_37] : memref<640000xf32, #tpu.memory_space<hbm>> -> memref<20000xf32, #tpu.memory_space<hbm>>
      %dma_start3A_108 = tpu.memref_slice %arg4[%add3A_37] : memref<640000xf32, #tpu.memory_space<hbm>> -> memref<20000xf32, #tpu.memory_space<hbm>>
      tpu.enqueue_dma source(%dma_start3A_108 : memref<20000xf32, #tpu.memory_space<hbm>>) target(%arg9 : memref<20000xf32, #tpu.memory_space<vmem>>) target_semaphore(%run_scoped3A : memref<!tpu.dma_semaphore, #tpu.memory_space<semaphore_mem>>)
      %dma_wait3A = tpu.memref_slice %arg4[%add3A_37] : memref<640000xf32, #tpu.memory_space<hbm>> -> memref<20000xf32, #tpu.memory_space<hbm>>
      %dma_wait3A_109 = tpu.memref_slice %arg4[%add3A_37] : memref<640000xf32, #tpu.memory_space<hbm>> -> memref<20000xf32, #tpu.memory_space<hbm>>
      tpu.wait_dma2 semaphore(%run_scoped3A : memref<!tpu.dma_semaphore, #tpu.memory_space<semaphore_mem>>) src(%dma_wait3A_109 : memref<20000xf32, #tpu.memory_space<hbm>>) dst(%arg9 : memref<20000xf32, #tpu.memory_space<vmem>>)
      tpu.yield
    }) : () -> ()
    %broadcast_in_dim3A = arith.constant 0.000000e+00 : f32
    %broadcast_in_dim3A_38 = vector.broadcast %broadcast_in_dim3A : f32 to vector<16xf32>
    %scan3A = arith.constant 0 : i32
    %scan3A_39 = arith.constant 80 : i32
    %scan3A_40 = arith.addi %scan3A, %scan3A_39 : i32
    %scan3A_41 = arith.constant 1 : i32
    scf.for %scan3A_108 = %scan3A to %scan3A_40 step %scan3A_41  : i32 {
      %mul3A_109 = arith.constant 128 : i32
      %mul3A_110 = arith.muli %scan3A_108, %mul3A_109 : i32
      %add3A_111 = arith.constant 0 : i32
      %add3A_112 = arith.addi %add3A_111, %mul3A_110 : i32
      %add3A_113 = arith.constant 0 : i32
      %add3A_114 = arith.addi %add3A_112, %add3A_113 : i32
      %swap3A = arith.index_cast %add3A_114 : i32 to index
      %swap3A_115 = tpu.vector_load %arg7[%swap3A] {strides = array<i32>} : memref<10240xf32, #tpu.memory_space<vmem>>, vector<16xf32>,
      tpu.vector_store %arg7[%swap3A], %broadcast_in_dim3A_38 {strides = array<i32>} : memref<10240xf32, #tpu.memory_space<vmem>>, vector<16xf32>,
      %add3A_116 = arith.constant 16 : i32
      %add3A_117 = arith.addi %add3A_112, %add3A_116 : i32
      %swap3A_118 = arith.index_cast %add3A_117 : i32 to index
      %swap3A_119 = tpu.vector_load %arg7[%swap3A_118] {strides = array<i32>} : memref<10240xf32, #tpu.memory_space<vmem>>, vector<16xf32>,
      tpu.vector_store %arg7[%swap3A_118], %broadcast_in_dim3A_38 {strides = array<i32>} : memref<10240xf32, #tpu.memory_space<vmem>>, vector<16xf32>,
      %add3A_120 = arith.constant 32 : i32
      %add3A_121 = arith.addi %add3A_112, %add3A_120 : i32
      %swap3A_122 = arith.index_cast %add3A_121 : i32 to index
      %swap3A_123 = tpu.vector_load %arg7[%swap3A_122] {strides = array<i32>} : memref<10240xf32, #tpu.memory_space<vmem>>, vector<16xf32>,
      tpu.vector_store %arg7[%swap3A_122], %broadcast_in_dim3A_38 {strides = array<i32>} : memref<10240xf32, #tpu.memory_space<vmem>>, vector<16xf32>,
      %add3A_124 = arith.constant 48 : i32
      %add3A_125 = arith.addi %add3A_112, %add3A_124 : i32
      %swap3A_126 = arith.index_cast %add3A_125 : i32 to index
      %swap3A_127 = tpu.vector_load %arg7[%swap3A_126] {strides = array<i32>} : memref<10240xf32, #tpu.memory_space<vmem>>, vector<16xf32>,
      tpu.vector_store %arg7[%swap3A_126], %broadcast_in_dim3A_38 {strides = array<i32>} : memref<10240xf32, #tpu.memory_space<vmem>>, vector<16xf32>,
      %add3A_128 = arith.constant 64 : i32
      %add3A_129 = arith.addi %add3A_112, %add3A_128 : i32
      %swap3A_130 = arith.index_cast %add3A_129 : i32 to index
      %swap3A_131 = tpu.vector_load %arg7[%swap3A_130] {strides = array<i32>} : memref<10240xf32, #tpu.memory_space<vmem>>, vector<16xf32>,
      tpu.vector_store %arg7[%swap3A_130], %broadcast_in_dim3A_38 {strides = array<i32>} : memref<10240xf32, #tpu.memory_space<vmem>>, vector<16xf32>,
      %add3A_132 = arith.constant 80 : i32
      %add3A_133 = arith.addi %add3A_112, %add3A_132 : i32
      %swap3A_134 = arith.index_cast %add3A_133 : i32 to index
      %swap3A_135 = tpu.vector_load %arg7[%swap3A_134] {strides = array<i32>} : memref<10240xf32, #tpu.memory_space<vmem>>, vector<16xf32>,
      tpu.vector_store %arg7[%swap3A_134], %broadcast_in_dim3A_38 {strides = array<i32>} : memref<10240xf32, #tpu.memory_space<vmem>>, vector<16xf32>,
      %add3A_136 = arith.constant 96 : i32
      %add3A_137 = arith.addi %add3A_112, %add3A_136 : i32
      %swap3A_138 = arith.index_cast %add3A_137 : i32 to index
      %swap3A_139 = tpu.vector_load %arg7[%swap3A_138] {strides = array<i32>} : memref<10240xf32, #tpu.memory_space<vmem>>, vector<16xf32>,
      tpu.vector_store %arg7[%swap3A_138], %broadcast_in_dim3A_38 {strides = array<i32>} : memref<10240xf32, #tpu.memory_space<vmem>>, vector<16xf32>,
      %add3A_140 = arith.constant 112 : i32
      %add3A_141 = arith.addi %add3A_112, %add3A_140 : i32
      %swap3A_142 = arith.index_cast %add3A_141 : i32 to index
      %swap3A_143 = tpu.vector_load %arg7[%swap3A_142] {strides = array<i32>} : memref<10240xf32, #tpu.memory_space<vmem>>, vector<16xf32>,
      tpu.vector_store %arg7[%swap3A_142], %broadcast_in_dim3A_38 {strides = array<i32>} : memref<10240xf32, #tpu.memory_space<vmem>>, vector<16xf32>,
    }
    %scan3A_42 = arith.constant 80 : i32
    %iota3A = tpu.iota {dimensions = array<i32: 0>} : vector<16xi32>
    %broadcast_in_dim3A_43 = arith.constant 0 : i32
    %broadcast_in_dim3A_44 = vector.broadcast %broadcast_in_dim3A_43 : i32 to vector<16xi32>
    %broadcast_in_dim3A_45 = arith.constant 1 : i32
    %broadcast_in_dim3A_46 = vector.broadcast %broadcast_in_dim3A_45 : i32 to vector<16xi32>
    %scan3A_47 = arith.constant 1.000000e+00 : f32
    %scan3A_48 = arith.constant 0 : i32
    %scan3A_49 = arith.constant 50 : i32
    %scan3A_50 = arith.addi %scan3A_48, %scan3A_49 : i32
    %scan3A_51 = arith.constant 1 : i32
    scf.for %scan3A_108 = %scan3A_48 to %scan3A_50 step %scan3A_51  : i32 {
      %mul3A_109 = arith.constant 400 : i32
      %mul3A_110 = arith.muli %scan3A_108, %mul3A_109 : i32
      %add3A_111 = arith.constant 0 : i32
      %add3A_112 = arith.addi %add3A_111, %mul3A_110 : i32
      %mul3A_113 = arith.constant 20000 : i32
      %mul3A_114 = arith.muli %select_n3A_28, %mul3A_113 : i32
      %add3A_115 = arith.addi %mul3A_114, %add3A_112 : i32
      "tpu.region"() ({
        %run_scoped3A = tpu.sem_alloc : memref<!tpu.dma_semaphore, #tpu.memory_space<semaphore_mem>>
        %dma_start3A = arith.constant 0 : i32
        %dma_start3A_118 = tpu.memref_slice %arg3[%add3A_30, %add3A_115, %dma_start3A] : memref<4x160000x2xf32, #tpu.memory_space<hbm>> -> memref<1x400x2xf32, #tpu.memory_space<hbm>>
        %dma_start3A_119 = tpu.memref_squeeze %dma_start3A_118 : memref<1x400x2xf32, #tpu.memory_space<hbm>> -> memref<400x2xf32, #tpu.memory_space<hbm>>
        %dma_start3A_120 = arith.constant 0 : i32
        %dma_start3A_121 = tpu.memref_slice %arg3[%add3A_30, %add3A_115, %dma_start3A_120] : memref<4x160000x2xf32, #tpu.memory_space<hbm>> -> memref<1x400x2xf32, #tpu.memory_space<hbm>>
        %dma_start3A_122 = tpu.memref_squeeze %dma_start3A_121 : memref<1x400x2xf32, #tpu.memory_space<hbm>> -> memref<400x2xf32, #tpu.memory_space<hbm>>
        tpu.enqueue_dma source(%dma_start3A_122 : memref<400x2xf32, #tpu.memory_space<hbm>>) target(%arg8 : memref<400x2xf32, #tpu.memory_space<vmem>>) target_semaphore(%run_scoped3A : memref<!tpu.dma_semaphore, #tpu.memory_space<semaphore_mem>>)
        %dma_wait3A = arith.constant 0 : i32
        %dma_wait3A_123 = tpu.memref_slice %arg3[%add3A_30, %add3A_115, %dma_wait3A] : memref<4x160000x2xf32, #tpu.memory_space<hbm>> -> memref<1x400x2xf32, #tpu.memory_space<hbm>>
        %dma_wait3A_124 = tpu.memref_squeeze %dma_wait3A_123 : memref<1x400x2xf32, #tpu.memory_space<hbm>> -> memref<400x2xf32, #tpu.memory_space<hbm>>
        %dma_wait3A_125 = arith.constant 0 : i32
        %dma_wait3A_126 = tpu.memref_slice %arg3[%add3A_30, %add3A_115, %dma_wait3A_125] : memref<4x160000x2xf32, #tpu.memory_space<hbm>> -> memref<1x400x2xf32, #tpu.memory_space<hbm>>
        %dma_wait3A_127 = tpu.memref_squeeze %dma_wait3A_126 : memref<1x400x2xf32, #tpu.memory_space<hbm>> -> memref<400x2xf32, #tpu.memory_space<hbm>>
        tpu.wait_dma2 semaphore(%run_scoped3A : memref<!tpu.dma_semaphore, #tpu.memory_space<semaphore_mem>>) src(%dma_wait3A_127 : memref<400x2xf32, #tpu.memory_space<hbm>>) dst(%arg8 : memref<400x2xf32, #tpu.memory_space<vmem>>)
        tpu.yield
      }) : () -> ()
      %parallel_loop3A = arith.constant 0 : i32
      %parallel_loop3A_116 = arith.constant 400 : i32
      %parallel_loop3A_117 = arith.constant 16 : i32
      scf.for %parallel_loop3A_118 = %parallel_loop3A to %parallel_loop3A_116 step %parallel_loop3A_117  : i32 {
        %parallel_loop3A_119 = arith.addi %add3A_112, %parallel_loop3A_118 : i32
        %parallel_loop3A_120 = vector.broadcast %parallel_loop3A_118 : i32 to vector<16xi32>
        %parallel_loop3A_121 = arith.addi %iota3A, %parallel_loop3A_120 : vector<16xi32>
        %parallel_loop3A_122 = tpu.vector_load_idx %arg8[%parallel_loop3A_121, %broadcast_in_dim3A_44] : memref<400x2xf32, #tpu.memory_space<vmem>>[vector<16xi32>, vector<16xi32>], vector<16xf32>,
        %parallel_loop3A_123 = tpu.vector_load_idx %arg8[%parallel_loop3A_121, %broadcast_in_dim3A_46] : memref<400x2xf32, #tpu.memory_space<vmem>>[vector<16xi32>, vector<16xi32>], vector<16xf32>,
        %parallel_loop3A_124 = arith.index_cast %parallel_loop3A_119 : i32 to index
        %parallel_loop3A_125 = tpu.vector_load %arg9[%parallel_loop3A_124] {strides = array<i32>} : memref<20000xf32, #tpu.memory_space<vmem>>, vector<16xf32>,
        %parallel_loop3A_126 = arith.fptosi %parallel_loop3A_123 : vector<16xf32> to vector<16xi32>
        %parallel_loop3A_127 = arith.sitofp %parallel_loop3A_126 : vector<16xi32> to vector<16xf32>
        %parallel_loop3A_128 = arith.subf %parallel_loop3A_123, %parallel_loop3A_127 : vector<16xf32>
        %parallel_loop3A_129 = arith.constant 0.000000e+00 : f32
        %parallel_loop3A_130 = vector.broadcast %parallel_loop3A_129 : f32 to vector<16xf32>
        %parallel_loop3A_131 = arith.cmpf ogt, %parallel_loop3A_128, %parallel_loop3A_130 : vector<16xf32>
        %parallel_loop3A_132 = arith.extui %parallel_loop3A_131 : vector<16xi1> to vector<16xi32>
        %parallel_loop3A_133 = arith.addi %parallel_loop3A_126, %parallel_loop3A_132 : vector<16xi32>
        %parallel_loop3A_134 = vector.broadcast %scan3A_47 : f32 to vector<16xf32>
        %parallel_loop3A_135 = arith.subf %parallel_loop3A_134, %parallel_loop3A_128 : vector<16xf32>
        %parallel_loop3A_136 = vector.broadcast %scan3A_47 : f32 to vector<16xf32>
        %parallel_loop3A_137 = arith.select %parallel_loop3A_131, %parallel_loop3A_128, %parallel_loop3A_136 : vector<16xi1>, vector<16xf32>
        %parallel_loop3A_138 = arith.fptosi %parallel_loop3A_122 : vector<16xf32> to vector<16xi32>
        %parallel_loop3A_139 = arith.sitofp %parallel_loop3A_138 : vector<16xi32> to vector<16xf32>
        %parallel_loop3A_140 = arith.subf %parallel_loop3A_122, %parallel_loop3A_139 : vector<16xf32>
        %parallel_loop3A_141 = arith.constant 0.000000e+00 : f32
        %parallel_loop3A_142 = vector.broadcast %parallel_loop3A_141 : f32 to vector<16xf32>
        %parallel_loop3A_143 = arith.cmpf ogt, %parallel_loop3A_140, %parallel_loop3A_142 : vector<16xf32>
        %parallel_loop3A_144 = arith.extui %parallel_loop3A_143 : vector<16xi1> to vector<16xi32>
        %parallel_loop3A_145 = arith.addi %parallel_loop3A_138, %parallel_loop3A_144 : vector<16xi32>
        %parallel_loop3A_146 = vector.broadcast %scan3A_47 : f32 to vector<16xf32>
        %parallel_loop3A_147 = arith.subf %parallel_loop3A_146, %parallel_loop3A_140 : vector<16xf32>
        %parallel_loop3A_148 = vector.broadcast %scan3A_47 : f32 to vector<16xf32>
        %parallel_loop3A_149 = arith.select %parallel_loop3A_143, %parallel_loop3A_140, %parallel_loop3A_148 : vector<16xi1>, vector<16xf32>
        %parallel_loop3A_150 = tpu.vector_load_idx %arg6[%parallel_loop3A_126] : memref<10000xf32, #tpu.memory_space<vmem>>[vector<16xi32>], vector<16xf32>,
        %parallel_loop3A_151 = tpu.vector_load_idx %arg6[%parallel_loop3A_133] : memref<10000xf32, #tpu.memory_space<vmem>>[vector<16xi32>], vector<16xf32>,
        %parallel_loop3A_152 = arith.mulf %parallel_loop3A_135, %parallel_loop3A_150 : vector<16xf32>
        %parallel_loop3A_153 = arith.mulf %parallel_loop3A_137, %parallel_loop3A_151 : vector<16xf32>
        %parallel_loop3A_154 = arith.addf %parallel_loop3A_152, %parallel_loop3A_153 : vector<16xf32>
        %parallel_loop3A_155 = arith.mulf %parallel_loop3A_125, %parallel_loop3A_154 : vector<16xf32>
        %parallel_loop3A_156 = arith.mulf %parallel_loop3A_147, %parallel_loop3A_155 : vector<16xf32>
        tpu.vector_store_idx %arg7[%parallel_loop3A_138], %parallel_loop3A_156 {add = true} : memref<10240xf32, #tpu.memory_space<vmem>>[vector<16xi32>], vector<16xf32>,
        %parallel_loop3A_157 = arith.mulf %parallel_loop3A_149, %parallel_loop3A_155 : vector<16xf32>
        tpu.vector_store_idx %arg7[%parallel_loop3A_145], %parallel_loop3A_157 {add = true} : memref<10240xf32, #tpu.memory_space<vmem>>[vector<16xi32>], vector<16xf32>,
      } {sc.loop_unroll_factor = 8 : i64, sc.parallel_access}
    }
    %scan3A_52 = arith.constant 50 : i32
    "tpu.region"() ({
      %run_scoped3A = tpu.sem_alloc : memref<!tpu.dma_semaphore, #tpu.memory_space<semaphore_mem>>
      %dma_start3A = arith.constant 0 : i32
      %dma_start3A_108 = tpu.memref_slice %arg12[%arg1, %dma_start3A] : memref<16x10240xf32, #tpu.memory_space<vmem_shared>> -> memref<1x10240xf32, #tpu.memory_space<vmem_shared>>
      %dma_start3A_109 = tpu.memref_squeeze %dma_start3A_108 : memref<1x10240xf32, #tpu.memory_space<vmem_shared>> -> memref<10240xf32, #tpu.memory_space<vmem_shared>>
      %dma_start3A_110 = arith.constant 0 : i32
      %dma_start3A_111 = tpu.memref_slice %arg12[%arg1, %dma_start3A_110] : memref<16x10240xf32, #tpu.memory_space<vmem_shared>> -> memref<1x10240xf32, #tpu.memory_space<vmem_shared>>
      %dma_start3A_112 = tpu.memref_squeeze %dma_start3A_111 : memref<1x10240xf32, #tpu.memory_space<vmem_shared>> -> memref<10240xf32, #tpu.memory_space<vmem_shared>>
      tpu.enqueue_dma source(%arg7 : memref<10240xf32, #tpu.memory_space<vmem>>) target(%dma_start3A_112 : memref<10240xf32, #tpu.memory_space<vmem_shared>>) target_semaphore(%run_scoped3A : memref<!tpu.dma_semaphore, #tpu.memory_space<semaphore_mem>>)
      %dma_wait3A = arith.constant 0 : i32
      %dma_wait3A_113 = tpu.memref_slice %arg12[%arg1, %dma_wait3A] : memref<16x10240xf32, #tpu.memory_space<vmem_shared>> -> memref<1x10240xf32, #tpu.memory_space<vmem_shared>>
      %dma_wait3A_114 = tpu.memref_squeeze %dma_wait3A_113 : memref<1x10240xf32, #tpu.memory_space<vmem_shared>> -> memref<10240xf32, #tpu.memory_space<vmem_shared>>
      %dma_wait3A_115 = arith.constant 0 : i32
      %dma_wait3A_116 = tpu.memref_slice %arg12[%arg1, %dma_wait3A_115] : memref<16x10240xf32, #tpu.memory_space<vmem_shared>> -> memref<1x10240xf32, #tpu.memory_space<vmem_shared>>
      %dma_wait3A_117 = tpu.memref_squeeze %dma_wait3A_116 : memref<1x10240xf32, #tpu.memory_space<vmem_shared>> -> memref<10240xf32, #tpu.memory_space<vmem_shared>>
      tpu.wait_dma2 semaphore(%run_scoped3A : memref<!tpu.dma_semaphore, #tpu.memory_space<semaphore_mem>>) src(%arg7 : memref<10240xf32, #tpu.memory_space<vmem>>) dst(%dma_wait3A_117 : memref<10240xf32, #tpu.memory_space<vmem_shared>>)
      tpu.yield
    }) : () -> ()
    %barrier3A = arith.constant 0 : index
    tpu.barrier barrier_id(%barrier3A)
    %jit3A_53 = arith.constant 8 : i32
    %div3A_54 = arith.divsi %arg1, %jit3A_53 : i32
    %sign3A_55 = arith.constant 0 : i32
    %sign3A_56 = arith.cmpi sgt, %arg1, %sign3A_55 : i32
    %sign3A_57 = arith.extui %sign3A_56 : i1 to i32
    %sign3A_58 = arith.constant 0 : i32
    %sign3A_59 = arith.cmpi slt, %arg1, %sign3A_58 : i32
    %sign3A_60 = arith.extui %sign3A_59 : i1 to i32
    %sign3A_61 = arith.subi %sign3A_57, %sign3A_60 : i32
    %sign3A_62 = arith.constant 0 : i32
    %sign3A_63 = arith.cmpi sgt, %jit3A_53, %sign3A_62 : i32
    %sign3A_64 = arith.extui %sign3A_63 : i1 to i32
    %sign3A_65 = arith.constant 0 : i32
    %sign3A_66 = arith.cmpi slt, %jit3A_53, %sign3A_65 : i32
    %sign3A_67 = arith.extui %sign3A_66 : i1 to i32
    %sign3A_68 = arith.subi %sign3A_64, %sign3A_67 : i32
    %ne3A_69 = arith.cmpi ne, %sign3A_61, %sign3A_68 : i32
    %rem3A_70 = arith.remsi %arg1, %jit3A_53 : i32
    %ne3A_71 = arith.constant 0 : i32
    %ne3A_72 = arith.cmpi ne, %rem3A_70, %ne3A_71 : i32
    %and3A_73 = arith.andi %ne3A_69, %ne3A_72 : i1
    %sub3A_74 = arith.constant 1 : i32
    %sub3A_75 = arith.subi %div3A_54, %sub3A_74 : i32
    %select_n3A_76 = arith.select %and3A_73, %sub3A_75, %div3A_54 : i32
    %jit3A_77 = arith.constant 8 : i32
    %eq3A_78 = arith.constant 0 : i32
    %eq3A_79 = arith.cmpi eq, %jit3A_77, %eq3A_78 : i32
    %jit3A_80 = arith.constant 1 : i32
    %select_n3A_81 = arith.select %eq3A_79, %jit3A_80, %jit3A_77 : i32
    %rem3A_82 = arith.remsi %arg1, %select_n3A_81 : i32
    %ne3A_83 = arith.constant 0 : i32
    %ne3A_84 = arith.cmpi ne, %rem3A_82, %ne3A_83 : i32
    %lt3A_85 = arith.constant 0 : i32
    %lt3A_86 = arith.cmpi slt, %rem3A_82, %lt3A_85 : i32
    %lt3A_87 = arith.constant 0 : i32
    %lt3A_88 = arith.cmpi slt, %select_n3A_81, %lt3A_87 : i32
    %ne3A_89 = arith.xori %lt3A_86, %lt3A_88 : i1
    %and3A_90 = arith.andi %ne3A_89, %ne3A_84 : i1
    %add3A_91 = arith.addi %rem3A_82, %select_n3A_81 : i32
    %select_n3A_92 = arith.select %and3A_90, %add3A_91, %rem3A_82 : i32
    %mul3A_93 = arith.constant 8 : i32
    %mul3A_94 = arith.muli %select_n3A_76, %mul3A_93 : i32
    %mul3A_95 = arith.constant 1280 : i32
    %mul3A_96 = arith.muli %select_n3A_92, %mul3A_95 : i32
    "tpu.region"() ({
      %run_scoped3A = tpu.sem_alloc : memref<!tpu.dma_semaphore, #tpu.memory_space<semaphore_mem>>
      %dma_start3A = tpu.memref_slice %arg12[%mul3A_94, %mul3A_96] : memref<16x10240xf32, #tpu.memory_space<vmem_shared>> -> memref<8x1280xf32, #tpu.memory_space<vmem_shared>>
      %dma_start3A_108 = tpu.memref_slice %arg12[%mul3A_94, %mul3A_96] : memref<16x10240xf32, #tpu.memory_space<vmem_shared>> -> memref<8x1280xf32, #tpu.memory_space<vmem_shared>>
      tpu.enqueue_dma source(%dma_start3A_108 : memref<8x1280xf32, #tpu.memory_space<vmem_shared>>) target(%arg10 : memref<8x1280xf32, #tpu.memory_space<vmem>>) target_semaphore(%run_scoped3A : memref<!tpu.dma_semaphore, #tpu.memory_space<semaphore_mem>>)
      %dma_wait3A = tpu.memref_slice %arg12[%mul3A_94, %mul3A_96] : memref<16x10240xf32, #tpu.memory_space<vmem_shared>> -> memref<8x1280xf32, #tpu.memory_space<vmem_shared>>
      %dma_wait3A_109 = tpu.memref_slice %arg12[%mul3A_94, %mul3A_96] : memref<16x10240xf32, #tpu.memory_space<vmem_shared>> -> memref<8x1280xf32, #tpu.memory_space<vmem_shared>>
      tpu.wait_dma2 semaphore(%run_scoped3A : memref<!tpu.dma_semaphore, #tpu.memory_space<semaphore_mem>>) src(%dma_wait3A_109 : memref<8x1280xf32, #tpu.memory_space<vmem_shared>>) dst(%arg10 : memref<8x1280xf32, #tpu.memory_space<vmem>>)
      tpu.yield
    }) : () -> ()
    %scan3A_97 = arith.constant 0 : i32
    %scan3A_98 = arith.constant 80 : i32
    %scan3A_99 = arith.addi %scan3A_97, %scan3A_98 : i32
    %scan3A_100 = arith.constant 1 : i32
    scf.for %scan3A_108 = %scan3A_97 to %scan3A_99 step %scan3A_100  : i32 {
      %mul3A_109 = arith.constant 16 : i32
      %mul3A_110 = arith.muli %scan3A_108, %mul3A_109 : i32
      %add3A_111 = arith.constant 0 : i32
      %add3A_112 = arith.addi %add3A_111, %mul3A_110 : i32
      %get3A = arith.constant 0 : i32
      %get3A_113 = arith.index_cast %get3A : i32 to index
      %get3A_114 = arith.index_cast %add3A_112 : i32 to index
      %get3A_115 = tpu.vector_load %arg10[%get3A_113, %get3A_114] {strides = array<i32>} : memref<8x1280xf32, #tpu.memory_space<vmem>>, vector<16xf32>,
      %get3A_116 = arith.constant 1 : i32
      %get3A_117 = arith.index_cast %get3A_116 : i32 to index
      %get3A_118 = arith.index_cast %add3A_112 : i32 to index
      %get3A_119 = tpu.vector_load %arg10[%get3A_117, %get3A_118] {strides = array<i32>} : memref<8x1280xf32, #tpu.memory_space<vmem>>, vector<16xf32>,
      %add3A_120 = arith.addf %get3A_115, %get3A_119 : vector<16xf32>
      %get3A_121 = arith.constant 2 : i32
      %get3A_122 = arith.index_cast %get3A_121 : i32 to index
      %get3A_123 = arith.index_cast %add3A_112 : i32 to index
      %get3A_124 = tpu.vector_load %arg10[%get3A_122, %get3A_123] {strides = array<i32>} : memref<8x1280xf32, #tpu.memory_space<vmem>>, vector<16xf32>,
      %add3A_125 = arith.addf %add3A_120, %get3A_124 : vector<16xf32>
      %get3A_126 = arith.constant 3 : i32
      %get3A_127 = arith.index_cast %get3A_126 : i32 to index
      %get3A_128 = arith.index_cast %add3A_112 : i32 to index
      %get3A_129 = tpu.vector_load %arg10[%get3A_127, %get3A_128] {strides = array<i32>} : memref<8x1280xf32, #tpu.memory_space<vmem>>, vector<16xf32>,
      %add3A_130 = arith.addf %add3A_125, %get3A_129 : vector<16xf32>
      %get3A_131 = arith.constant 4 : i32
      %get3A_132 = arith.index_cast %get3A_131 : i32 to index
      %get3A_133 = arith.index_cast %add3A_112 : i32 to index
      %get3A_134 = tpu.vector_load %arg10[%get3A_132, %get3A_133] {strides = array<i32>} : memref<8x1280xf32, #tpu.memory_space<vmem>>, vector<16xf32>,
      %add3A_135 = arith.addf %add3A_130, %get3A_134 : vector<16xf32>
      %get3A_136 = arith.constant 5 : i32
      %get3A_137 = arith.index_cast %get3A_136 : i32 to index
      %get3A_138 = arith.index_cast %add3A_112 : i32 to index
      %get3A_139 = tpu.vector_load %arg10[%get3A_137, %get3A_138] {strides = array<i32>} : memref<8x1280xf32, #tpu.memory_space<vmem>>, vector<16xf32>,
      %add3A_140 = arith.addf %add3A_135, %get3A_139 : vector<16xf32>
      %get3A_141 = arith.constant 6 : i32
      %get3A_142 = arith.index_cast %get3A_141 : i32 to index
      %get3A_143 = arith.index_cast %add3A_112 : i32 to index
      %get3A_144 = tpu.vector_load %arg10[%get3A_142, %get3A_143] {strides = array<i32>} : memref<8x1280xf32, #tpu.memory_space<vmem>>, vector<16xf32>,
      %add3A_145 = arith.addf %add3A_140, %get3A_144 : vector<16xf32>
      %get3A_146 = arith.constant 7 : i32
      %get3A_147 = arith.index_cast %get3A_146 : i32 to index
      %get3A_148 = arith.index_cast %add3A_112 : i32 to index
      %get3A_149 = tpu.vector_load %arg10[%get3A_147, %get3A_148] {strides = array<i32>} : memref<8x1280xf32, #tpu.memory_space<vmem>>, vector<16xf32>,
      %add3A_150 = arith.addf %add3A_145, %get3A_149 : vector<16xf32>
      %swap3A = arith.index_cast %add3A_112 : i32 to index
      %swap3A_151 = tpu.vector_load %arg11[%swap3A] {strides = array<i32>} : memref<1280xf32, #tpu.memory_space<vmem>>, vector<16xf32>,
      tpu.vector_store %arg11[%swap3A], %add3A_150 {strides = array<i32>} : memref<1280xf32, #tpu.memory_space<vmem>>, vector<16xf32>,
    }
    %scan3A_101 = arith.constant 80 : i32
    %mul3A_102 = arith.constant 2 : i32
    %mul3A_103 = arith.muli %arg0, %mul3A_102 : i32
    %add3A_104 = arith.addi %mul3A_103, %select_n3A_76 : i32
    %mul3A_105 = arith.constant 10240 : i32
    %mul3A_106 = arith.muli %add3A_104, %mul3A_105 : i32
    %add3A_107 = arith.addi %mul3A_106, %mul3A_96 : i32
    "tpu.region"() ({
      %run_scoped3A = tpu.sem_alloc : memref<!tpu.dma_semaphore, #tpu.memory_space<semaphore_mem>>
      %dma_start3A = tpu.memref_slice %arg5[%add3A_107] : memref<40960xf32, #tpu.memory_space<hbm>> -> memref<1280xf32, #tpu.memory_space<hbm>>
      %dma_start3A_108 = tpu.memref_slice %arg5[%add3A_107] : memref<40960xf32, #tpu.memory_space<hbm>> -> memref<1280xf32, #tpu.memory_space<hbm>>
      tpu.enqueue_dma source(%arg11 : memref<1280xf32, #tpu.memory_space<vmem>>) target(%dma_start3A_108 : memref<1280xf32, #tpu.memory_space<hbm>>) target_semaphore(%run_scoped3A : memref<!tpu.dma_semaphore, #tpu.memory_space<semaphore_mem>>)
      %dma_wait3A = tpu.memref_slice %arg5[%add3A_107] : memref<40960xf32, #tpu.memory_space<hbm>> -> memref<1280xf32, #tpu.memory_space<hbm>>
      %dma_wait3A_109 = tpu.memref_slice %arg5[%add3A_107] : memref<40960xf32, #tpu.memory_space<hbm>> -> memref<1280xf32, #tpu.memory_space<hbm>>
      tpu.wait_dma2 semaphore(%run_scoped3A : memref<!tpu.dma_semaphore, #tpu.memory_space<semaphore_mem>>) src(%arg11 : memref<1280xf32, #tpu.memory_space<vmem>>) dst(%dma_wait3A_109 : memref<1280xf32, #tpu.memory_space<hbm>>)
      tpu.yield
    }) : () -> ()
    return
  }
}

</mosaic_0001>

<sc_bundles>
// kernel: kernel.3.cloned.1.call-start
scs
__scs_entry_jumppad:
0x0: {  	(pc) =	sbr.rel $0x88, $3  }
0x1: {  	(tag) =	ssettag $0x0;
	lr =	simm.s32 $0x1  }
0x2: {  	[smem:$0x3F9E] =	sst lr;
	_ =	strace $0xD0000000  }
0x3: {  	_ = 	snop  }
0x4: {  	_ = 	snop  }
0x5: {  	_ = 	snop  }
0x6: {  	_ = 	snop  }
0x7: {  	_ = 	snop  }
__scs_overlays_trampoline_lowered:
0x8: {  	[smem:$0x3FAD] =	sst s0  }
0x9: {  	[smem:$0x3FAE] =	sst s1  }
0xa: {  	[smem:$0x3FAF] =	sst s2  }
0xb: {  	[smem:$0x3FB0] =	sst s3  }
0xc: {  	[smem:$0x3FB1] =	sst s4  }
0xd: {  	[smem:$0x3FB2] =	sst s5  }
0xe: {  	[smem:$0x3FB3] =	sst s6  }
0xf: {  	[smem:$0x3FB4] =	sst s7  }
0x10: {  	[smem:$0x3FB5] =	sst s8  }
0x11: {  	[smem:$0x3FB6] =	sst s9;
	s0 =	simm.s32 @!p0 $0x0  }
0x12: {  	s1 =	sld [smem:$0x3F9C];
	s0 =	simm.s32 @p0 $0x1  }
0x13: {  	[smem:$0x3FB7] =	sst s0;
	s0 =	simm.s32 @!p1 $0x0  }
0x14: {  	s2 =	sld [smem:$0x3F9B];
	s0 =	simm.s32 @p1 $0x1  }
0x15: {  	[smem:$0x3FB8] =	sst s0;
	s0 =	simm.s32 @!p2 $0x0  }
0x16: {  	s3 =	sld [smem:$0x3FDB];
	s0 =	simm.s32 @p2 $0x1  }
0x17: {  	s4 =	simm.s32 $0x1BF5;
	[smem:$0x3FBA] =	sst s0  }
0x18: {  	s0 =	sld [smem:$0x3F9D];
	_ =	swait.ge [sflag:s4], $0x0  }
0x19: {  	s7 =	sld [smem:$0x3F9E]  }
0x1a: {  	s8 =	sadd.s32 $0xFFFFE003, lr  }
0x1b: {  	s9 =	sadd.s32 $0xFFFFFEF7, lr;
	s5 =	simm.s32 $0xFFFFFFFF;
	p2 =	slt.u32 s8, $0xFFFFF086  }
0x1c: {  	p1 =	slt.u32 s9, $0xF7A;
	s5 =	simm.s32 @!p2 $0x0  }
0x1d: {  	s5 =	simm.s32 @p1 $0x1;
	p0 =	seq.s32 s7, s2  }
0x1e: {  	s7 =	smul.u32 @!p0 $0xF7A, s2;
	p2 =	seq.s32 @!p0 s5, $0x0  }
0x1f: {  	s9 =	smul.u32 $0xF7A, s1;
	s8 =	simm.s32 @!p0 $0x1BF5;
	p2 =	por !p2, p0  }
0x20: {  	[sflag:s8] =	ssyncset.s32 @!p0 $0xFFFFF086;
	s6 =	sadd.s32 @!p0 s3, s7;
	s7 =	simm.s32 @!p0 $0x108  }
0x21: {  	s3 =	sadd.s32 s3, s9;
	s6 =	sadd.s32 @!p0 $0x88, s6;
	s7 =	simm.s32 @p2 $0x1082  }
0x22: {  	[simem:s7], [sflag:s8] =	dma.local @!p0 [hbm:s6], $0xF7A  }
0x23: {  	s9 =	sor.u32 $0xD0000000, s2;
	s6 =	simm.s32 $0x108;
	_ =	swait.ge @!p0 [sflag:s8], $0x0  }
0x24: {  	s3 =	sadd.s32 $0x88, s3;
	s6 =	simm.s32 @!p1 $0x1082;
	[sflag:s4] =	ssyncset.s32 $0xFFFFF086  }
0x25: {  	[simem:s6], [sflag:s4] =	dma.local [hbm:s3], $0xF7A  }
0x26: {  	[smem:$0x3F9E] =	sst s1;
	(tag) =	ssettag s2;
	_ =	strace s9  }
0x27: {  	s1 =	sld [smem:$0x3FAE]  }
0x28: {  	s2 =	sld [smem:$0x3FAF]  }
0x29: {  	s4 =	sld [smem:$0x3FB1]  }
0x2a: {  	p0 =	seq.s32 s5, $0x0;
	s5 =	sld [smem:$0x3FB2]  }
0x2b: {  	s6 =	sld [smem:$0x3FB3]  }
0x2c: {  	s7 =	sld [smem:$0x3FB4]  }
0x2d: {  	s3 =	simm.s32 $0x108;
	s8 =	sld [smem:$0x3FB5]  }
0x2e: {  	s3 =	simm.s32 @!p0 $0x1082;
	s9 =	sld [smem:$0x3FB6]  }
0x2f: {  	lr =	sadd.s32 s0, s3;
	s0 =	sld [smem:$0x3FAD]  }
0x30: {  	s3 =	sld [smem:$0x3FB0]  }
0x31: {  	[smem:$0x3FB9] =	sst s10  }
0x32: {  	s10 =	sld [smem:$0x3FB7];
	_ =	sdelay $0x3  }
0x33: {  	p0 =	seq.s32 s10, $0x1;
	s10 =	sld [smem:$0x3FB9];
	_ =	sdelay $0x3  }
0x34: {  	[smem:$0x3FB9] =	sst s10  }
0x35: {  	s10 =	sld [smem:$0x3FB8];
	_ =	sdelay $0x3  }
0x36: {  	p1 =	seq.s32 s10, $0x1;
	s10 =	sld [smem:$0x3FB9];
	_ =	sdelay $0x3  }
0x37: {  	[smem:$0x3FB9] =	sst s10  }
0x38: {  	s10 =	sld [smem:$0x3FBA]  }
0x39: {  	_ = 	snop;
	(pc) =	sbr.ind lr, $3  }
0x3a: {  	_ = 	snop  }
0x3b: {  	_ = 	snop  }
0x3c: {  	p2 =	seq.s32 s10, $0x1;
	s10 =	sld [smem:$0x3FB9]  }
0x3d: {  	_ =	shalt  }
0x3e: {  	_ =	shalt  }
0x3f: {  	_ =	shalt  }
0x40: {  	_ =	shalt  }
0x41: {  	_ =	shalt  }
0x42: {  	_ =	shalt  }
0x43: {  	_ =	shalt  }
0x44: {  	_ =	shalt  }
0x45: {  	_ =	shalt  }
0x46: {  	_ =	shalt  }
0x47: {  	_ =	shalt  }
0x48: {  	_ =	shalt  }
0x49: {  	_ =	shalt  }
0x4a: {  	_ =	shalt  }
0x4b: {  	_ =	shalt  }
0x4c: {  	_ =	shalt  }
0x4d: {  	_ =	shalt  }
0x4e: {  	_ =	shalt  }
0x4f: {  	_ =	shalt  }
0x50: {  	_ =	shalt  }
0x51: {  	_ =	shalt  }
0x52: {  	_ =	shalt  }
0x53: {  	_ =	shalt  }
0x54: {  	_ =	shalt  }
0x55: {  	_ =	shalt  }
0x56: {  	_ =	shalt  }
0x57: {  	_ =	shalt  }
0x58: {  	_ =	shalt  }
0x59: {  	_ =	shalt  }
0x5a: {  	_ =	shalt  }
0x5b: {  	_ =	shalt  }
0x5c: {  	_ =	shalt  }
0x5d: {  	_ =	shalt  }
0x5e: {  	_ =	shalt  }
0x5f: {  	_ =	shalt  }
0x60: {  	_ =	shalt  }
0x61: {  	_ =	shalt  }
0x62: {  	_ =	shalt  }
0x63: {  	_ =	shalt  }
0x64: {  	_ =	shalt  }
0x65: {  	_ =	shalt  }
0x66: {  	_ =	shalt  }
0x67: {  	_ =	shalt  }
0x68: {  	_ =	shalt  }
0x69: {  	_ =	shalt  }
0x6a: {  	_ =	shalt  }
0x6b: {  	_ =	shalt  }
0x6c: {  	_ =	shalt  }
0x6d: {  	_ =	shalt  }
0x6e: {  	_ =	shalt  }
0x6f: {  	_ =	shalt  }
0x70: {  	_ =	shalt  }
0x71: {  	_ =	shalt  }
0x72: {  	_ =	shalt  }
0x73: {  	_ =	shalt  }
0x74: {  	_ =	shalt  }
0x75: {  	_ =	shalt  }
0x76: {  	_ =	shalt  }
0x77: {  	_ =	shalt  }
0x78: {  	_ =	shalt  }
0x79: {  	_ =	shalt  }
0x7a: {  	_ =	shalt  }
0x7b: {  	_ =	shalt  }
0x7c: {  	_ =	shalt  }
0x7d: {  	_ =	shalt  }
0x7e: {  	_ =	shalt  }
0x7f: {  	_ =	shalt  }
0x80: {  	_ =	shalt  }
0x81: {  	_ =	shalt  }
0x82: {  	_ =	shalt  }
0x83: {  	_ =	shalt  }
0x84: {  	_ =	shalt  }
0x85: {  	_ =	shalt  }
0x86: {  	_ =	shalt  }
0x87: {  	_ =	shalt  }
.Lfunc_end0:
.L_simem_size_0:
called_computation_lowered:
.L_overlay_start_0:
0x88: {  	s2 =	sld [smem:$0x3FD9]  }
0x89: {  	s3 =	sld [smem:$0x3FFE];
	_ =	sdelay $0x1  }
0x8a: {  	s1 =	srdreg.scid  }
0x8b: {  	s0 =	sand.u32 $0x1, s1  }
0x8c: {  	s16 =	sshll.u32 s0, $0xA;
	s2 =	sadd.s32 s3, s2  }
0x8d: {  	s2 =	sadd.s32 s2, s16  }
0x8e: {  	[smem:$0x3FC5] =	sst s2  }
0x8f: {  	_ = 	snop  }
0x90: {  	(tm) =	ssettm $0x1  }
0x91: {  	s17 =	sld [smem:$0x3FFB];
	_ =	sdelay $0x3  }
0x92: {  	_ =	strace s17  }
0x93: {  	s2 =	sld [smem:$0x3FFC];
	_ =	sdelay $0x3  }
0x94: {  	_ =	strace s2  }
0x95: {  	s2 =	sld [smem:$0x3FFD];
	_ =	sdelay $0x3  }
0x96: {  	_ =	strace s2  }
0x97: {  	_ =	strace $0x8FFFFFFF  }
0x98: {  	s18 =	sld [smem:$0x3FDB];
	_ =	sdelay $0x1  }
0x99: {  	s19 =	simm.s32 $_scs_section_size  }
0x9a: {  	s4 =	simm.s32 $_size__tile_overlayer_lowered;
	s5 =	simm.s32 $_tile_overlayer_lowered  }
0x9b: {  	s22 =	simm.s32 $0x1BFF;
	s21 =	sshll.u32 s5, $0x1;
	s2 =	sadd.s32 s19, s18  }
0x9c: {  	s6 =	simm.s32 $0x0;
	s20 =	sshll.u32 s4, $0x1;
	s4 =	sadd.s32 s21, s2  }
0x9d: {  	[timem:s6], [sflag:s22] =	dma.local [hbm:s4], s20  }
0x9e: {  	_ =	swait.ge [sflag:s22], s20  }
0x9f: {  	s3 =	ssub.s32 $0x0, s20;
	[sflag:s22] =	ssyncset.done $0x0  }
0xa0: {  	[sflag:s22] =	ssyncadd.s32 s3;
	_ =	sdelay $0x1  }
0xa1: {  	s23 =	simm.s32 $0x1B8B  }
0xa2: {  	_ =	swait.ge [sflag:s23], $0x1  }
0xa3: {  	[sflag:s23] =	ssyncset.done $0x0  }
0xa4: {  	s25 =	simm.s32 $0x1B8E;
	s24 =	sld [smem:$0x3FFE];
	[sflag:s23] =	ssyncadd.s32 $0xFFFFFFFF  }
0xa5: {  	s26 =	simm.s32 $execute0_lowered;
	[smem:$0x3FD2] =	sst s25  }
0xa6: {  	s4 =	sshll.u32 s26, $0x1;
	_ =	strace $0x80000046;
	[dreg:$0x1] =	wrdreg $0xFFFFFFFF  }
0xa7: {  	s28 =	simm.s32 $_size_execute0_lowered;
	s2 =	sadd.s32 s2, s4;
	[dreg:$0x0] =	wrdreg $0x0  }
0xa8: {  	s4 =	sshll.u32 s28, $0x1;
	[dreg:$0x2] =	wrdreg s2  }
0xa9: {  	[dreg:$0x3] =	wrdreg s4  }
0xaa: {  	[dreg:$0x4] =	wrdreg $0xC0  }
0xab: {  	_ =	task [dreg:s6], $0x5FFFF  }
0xac: {  	[dreg:$0x1] =	wrdreg $0xFFFFFFFF  }
0xad: {  	[dreg:$0x0] =	wrdreg $0x60  }
0xae: {  	[dreg:$0x2] =	wrdreg s24  }
0xaf: {  	[dreg:$0x3] =	wrdreg $0x193000  }
0xb0: {  	[dreg:$0x4] =	wrdreg $0x9  }
0xb1: {  	_ =	task.clear_ibuf [dreg:s6], $0x5FFFF;
	_ =	strace $0x90000046  }
0xb2: {  	s29 =	simm.s32 $0x9;
	_ =	strace $0x80000048  }
0xb3: {  	_ =	swait.ge [sflag:s29], $0x1  }
0xb4: {  	[sflag:s29] =	ssyncadd.s32 $0xFFFFFFFF  }
0xb5: {  	_ =	strace $0x90000048  }
0xb6: {  	_ =	sfence  }
0xb7: {  	s30 =	sld [smem:$0x0];
	_ =	sdelay $0x2  }
0xb8: {  	s31 =	sshll.u32 s1, $0xD;
	s1 =	sshrl.u32 s1, $0x2  }
0xb9: {  	s3 =	sand.u32 $0x4000, s31;
	s1 =	sadd.s32 s1, s30  }
0xba: {  	s0 =	sor.u32 s3, s0;
	s1 =	sshll.u32 s1, $0x11  }
0xbb: {  	s0 =	sor.u32 s1, s0  }
0xbc: {  	s0 =	sadd.s32 $0x8F2B, s0  }
0xbd: {  	[sflag:s0] =	ssyncadd.remote.s32 $0x1  }
0xbe: {  	_ =	sfence.sel $0xFFFF  }
0xbf: {  	[dreg:$0x0] =	wrdreg $0xFFFFFFFF;
	(pc) =	sbr.abs _section_cstart, $3  }
0xc0: {  	[dreg:$0x1] =	wrdreg $0xFFFFFFFF  }
0xc1: {  	_ =	task.clear_ibuf [dreg:s6], $0x2FFFF;
	_ =	strace $0x9FFFFFFF  }
0xc2: {  	(tm) =	ssettm $0x7FFFFFFF  }
0xc3: {  	_ =	shalt  }
tec
execute0_lowered:
.L_overlay_start_1:
0x0: {  	(tag) =	ssettag $0x1  }
0x1: {  	s13 =	stileid.u32;
	s5 =	rddreg [dreg:$0x0]  }
0x2: {  	s0 =	srdreg.scid;
	s8 =	rddreg [dreg:$0x1];
	s6 =	sand.u32 $0x7, s13  }
0x3: {  	s3 =	simm.s32 $0x0;
	s0 =	sand.u32 $0x1, s0;
	s10 =	smul.u32 $0x500, s6  }
0x4: {  	s1 =	sshrl.u32 s13, $0x3;
	s2 =	sshll.u32 s0, $0x1;
	s29 =	smul.u32 $0xA000, s6  }
0x5: {  	s14 =	simm.s32 $0x4F80;
	s7 =	sor.u32 s1, s2;
	s2 =	smul.u32 $0x4E20, s6  }
0x6: {  	s15 =	simm.s32 $0x2780;
	s19 =	simm.s32 $0x18E00;
	s1 =	smul.u32 $0x50000, s1  }
0x7: {  	s20 =	simm.s32 $0x0;
	[smem:$0x7FF] =	sst s3;
	s4 =	smul.u32 $0x4E2, s7  }
0x8: {  	s28 =	sshll.u32 s13, $0x7;
	s0 =	ssub.s32 $0x2, s0;
	s9 =	smul.u32 $0x27100, s7  }
0x9: {  	_ =	strace $0x80000047;
	s26 =	sshrl.u32 s0, $0x1;
	s11 =	smul.u32 $0x2800, s7  }
0xa: {  	s30 =	sand.u32 $0x380, s28;
	s0 =	ssub.s32 s0, s26;
	s7 =	smul.u32 $0x1388000, s7  }
0xb: {  	s31 =	sshrl.u32 s29, $0x2;
	s1 =	sshrl.u32 s1, $0x2;
	s9 =	sadd.s32 s2, s9  }
0xc: {  	s12 =	sadd.s32 s4, s5;
	s4 =	sadd.s32 $0x15400, s5;
	s10 =	sadd.s32 s10, s11  }
0xd: {  	s1 =	sadd.s32 s1, s8;
	s11 =	smax.u32 s0, $0x1;
	s9 =	sshrl.u32 s9, $0x3  }
0xe: {  	s10 =	sshrl.u32 s10, $0x3;
	s8 =	sadd.s32 s30, s1;
	s9 =	sadd.s32 s9, s5  }
0xf: {  	v1 =	vlaneseq.u32;
	s10 =	sadd.s32 s10, s5;
	s5 =	sadd.s32 $0x600, s12;
	s12 =	simm.s32 $0x1  }
0x10: {  	v0 =	vimm.f32 $0.0e+00;
	v2 =	vimm.s32 $0x0;
	v1 =	vmul.u32 $0x80, v1;
	s6 =	sadd.s32 $0x1A00, s9;
	s9 =	sadd.s32 s31, s1;
	s10 =	sadd.s32 $0x9D9400, s10  }
.LBB2_1:
0x11: {  	[tilespmem:s3], [sflag:$0x1] =	stream.linear.gather [hbm4b:s5+s3], $0x2710, $0x38;
	[tilespmem:$0x1BB00] =	vst v63  }
0x12: {  	_ =	swait.ge [sflag:s12], $0x2710  }
0x13: {  	[sflag:s12] =	ssyncset.done $0x0  }
0x14: {  	s0 =	simm.s32 $0x11780;
	[sflag:s12] =	ssyncadd.s32 $0xFFFFD8F0  }
0x15: {  	[tilespmem:s0], [sflag:$0x1] =	stream.linear.gather [hbm4b:s6+s3], $0x4E20, $0x38;
	[tilespmem:$0x1BB00] =	vst v63  }
0x16: {  	_ =	swait.ge [sflag:s12], $0x4E20  }
0x17: {  	[sflag:s12] =	ssyncset.done $0x0  }
0x18: {  	s1 =	simm.s32 $0x200;
	s0 =	simm.s32 $0x0;
	[sflag:s12] =	ssyncadd.s32 $0xFFFFB1E0  }
.LBB2_2:
0x19: {  	p0 =	sne.s32 s1, $0x9E00;
	[tilespmem:s0+$0x27F0] =	vst v0  }
0x1a: {  	[tilespmem:s0+$0x2780] =	vst v0  }
0x1b: {  	[tilespmem:s0+$0x2790] =	vst v0  }
.Ltmp0:
0x1c: {  	[tilespmem:s0+$0x27A0] =	vst v0;
	(pc) =	sbr.rel @p0 .LBB2_2-.Ltmp0, $4  }
0x1d: {  	[tilespmem:s0+$0x27B0] =	vst v0  }
0x1e: {  	[tilespmem:s0+$0x27C0] =	vst v0  }
0x1f: {  	[tilespmem:s0+$0x27D0] =	vst v0  }
0x20: {  	[tilespmem:s0+$0x27E0] =	vst v0;
	s0 =	sshra.s32 s1, $0x2;
	s1 =	sadd.s32 $0x200, s1  }
0x21: {  	[tilespmem:s0+$0x27F0] =	vst v0  }
0x22: {  	[tilespmem:s0+$0x2780] =	vst v0  }
0x23: {  	[tilespmem:s0+$0x2790] =	vst v0  }
0x24: {  	[tilespmem:s0+$0x27A0] =	vst v0  }
0x25: {  	[tilespmem:s0+$0x27B0] =	vst v0  }
0x26: {  	[tilespmem:s0+$0x27C0] =	vst v0  }
0x27: {  	[tilespmem:s0+$0x27D0] =	vst v0;
	s21 =	simm.s32 $0x0;
	s22 =	simm.s32 $0x117C0  }
0x28: {  	[tilespmem:s0+$0x27E0] =	vst v0;
	s23 =	simm.s32 $0x0;
	s24 =	simm.s32 $0x0;
	s25 =	simm.s32 $0x0  }
.LBB2_4:
0x29: {  	s26 =	smul.u32 $0x190, s25;
	_ =	sdelay $0x1  }
0x2a: {  	s1 =	simm.s32 $0x50;
	s0 =	sadd.s32 s2, s26  }
0x2b: {  	v3 =	vmov s1;
	s0 =	sshll.u32 s0, $0x7  }
0x2c: {  	s16 =	simm.s32 $0x10;
	s28 =	simm.s32 $0x30;
	v3 =	vshll.u32 v3, $0x7;
	s0 =	sadd.s32 s7, s0  }
0x2d: {  	v4 =	vmov s16;
	v5 =	vmov s28;
	v3 =	vor.u32 v1, v3;
	s0 =	sshrl.u32 s0, $0x3  }
0x2e: {  	s17 =	simm.s32 $0x20;
	s18 =	simm.s32 $0x60;
	v4 =	vshll.u32 v4, $0x7;
	v5 =	vshll.u32 v5, $0x7;
	v6 =	vor.u32 $0x1, v3;
	s0 =	sadd.s32 s4, s0  }
0x2f: {  	v7 =	vor.u32 v1, v4;
	v5 =	vor.u32 v1, v5;
	[tilespmem:s14], [sflag:$0x1] =	stream.linear.gather [hbm4b:s0+s21], $0xC800, $0x38;
	[tilespmem:$0x1BB00] =	vst v63  }
0x30: {  	v8 =	vmov s18;
	v4 =	vmov s17;
	v9 =	vor.u32 $0x1, v7;
	_ =	swait.ge [sflag:s12], $0xC800  }
0x31: {  	v8 =	vshll.u32 v8, $0x7;
	v4 =	vshll.u32 v4, $0x7;
	[sflag:s12] =	ssyncset.done $0x0  }
0x32: {  	v8 =	vor.u32 v1, v8;
	v10 =	vor.u32 v1, v4;
	[sflag:s12] =	ssyncadd.s32 $0xFFFF3800  }
0x33: {  	v11 =	vor.u32 $0x1, v10;
	v6 =	vld.idx.msk [tilespmem:v6+s14+$0x0], $0xffff  }
0x34: {  	v4 =	vld.idx.msk [tilespmem:v5+s14+$0x0], $0xffff  }
0x35: {  	s13 =	simm.s32 $0x70;
	v9 =	vld.idx.msk [tilespmem:v9+s14+$0x0], $0xffff  }
0x36: {  	v12 =	vmov s13;
	v13 =	vld.idx.msk [tilespmem:v3+s14+$0x0], $0xffff  }
0x37: {  	v12 =	vshll.u32 v12, $0x7;
	v3 =	vor.u32 $0x1, v8;
	v8 =	vld.idx.msk [tilespmem:v8+s14+$0x0], $0xffff  }
0x38: {  	s16 =	simm.s32 $0x40;
	v12 =	vor.u32 v1, v12;
	v11 =	vld.idx.msk [tilespmem:v11+s14+$0x0], $0xffff  }
0x39: {  	v14 =	vmov s16  }
0x3a: {  	v14 =	vshll.u32 v14, $0x7  }
0x3b: {  	v16 =	vor.u32 $0x1, v5;
	v15 =	vtrunc.f32 v6;
	v5 =	vtrunc.f32 v4  }
0x3c: {  	v19 =	vor.u32 v1, v14;
	v17 =	vtrunc.f32 v9;
	v14 =	vtrunc.f32 v13  }
0x3d: {  	v21 =	vor.u32 $0x1, v12;
	v12 =	vld.idx.msk [tilespmem:v12+s14+$0x0], $0xffff;
	v22 =	vtrunc.f32 v8;
	v23 =	vtrunc.f32 v11  }
0x3e: {  	v31 =	vld.idx.msk [tilespmem:v7+s14+$0x0], $0xffff;
	v15 =	vcvt.f32.s32 v15;
	v17 =	vcvt.f32.s32 v17  }
0x3f: {  	v18 =	vld.idx.msk [tilespmem:v3+s14+$0x0], $0xffff;
	v3 =	vcvt.f32.s32 v5;
	v23 =	vcvt.f32.s32 v23  }
0x40: {  	v5 =	vcvt.f32.s32 v22;
	v20 =	vcvt.s32.f32 v15  }
0x41: {  	v24 =	vcvt.s32.f32 v17;
	v27 =	vcvt.s32.f32 v23  }
0x42: {  	v30 =	vld.idx.msk [tilespmem:v16+s14+$0x0], $0xffff;
	v16 =	vtrunc.f32 v12;
	v6 =	vsub.f32 v6, v20;
	v20 =	vor.u32 $0x1, v19  }
0x43: {  	v9 =	vsub.f32 v9, v24;
	v24 =	vcvt.s32.f32 v5;
	v11 =	vsub.f32 v11, v27  }
0x44: {  	v38 =	vtrunc.f32 v31;
	vm0 =	vgt.f32 v6, $0.0e+00;
	v25 =	vsub.f32 $1.000000000e+00, v6  }
0x45: {  	v8 =	vsub.f32 v8, v24;
	vm1 =	vgt.f32 v11, $0.0e+00;
	v22 =	vsel vm0, $0x1, v2  }
0x46: {  	v21 =	vld.idx.msk [tilespmem:v21+s14+$0x0], $0xffff;
	v26 =	vnsel vm0, $0x3F800000, v6;
	v6 =	vtrunc.f32 v18;
	vm0 =	vgt.f32 v9, $0.0e+00  }
0x47: {  	v32 =	vsel vm1, $0x1, v2;
	v33 =	vnsel vm1, $0x3F800000, v11;
	v28 =	vadd.s32 v15, v22;
	v15 =	vld.idx.msk [tilespmem:v15+s3+$0x0], $0xffff  }
0x48: {  	v22 =	vcvt.f32.s32 v6;
	v6 =	vmov s21;
	v27 =	vsel vm0, $0x1, v2;
	v20 =	vld.idx.msk [tilespmem:v20+s14+$0x0], $0xffff  }
0x49: {  	v7 =	vshll.u32 v6, $0x7;
	v6 =	vcvt.f32.s32 v16;
	v27 =	vadd.s32 v17, v27;
	v17 =	vld.idx.msk [tilespmem:v17+s3+$0x0], $0xffff  }
0x4a: {  	v37 =	vnsel vm0, $0x3F800000, v9;
	v7 =	vor.u32 v1, v7;
	v16 =	vcvt.s32.f32 v22  }
0x4b: {  	v29 =	vld.idx.msk [tilespmem:v10+s14+$0x0], $0xffff;
	v9 =	vsub.f32 $1.000000000e+00, v9;
	v10 =	vor.u32 $0x1, v7;
	v35 =	vcvt.s32.f32 v6  }
0x4c: {  	v24 =	vsub.f32 v18, v16;
	v16 =	vtrunc.f32 v21;
	v18 =	vld.idx.msk [tilespmem:v28+s3+$0x0], $0xffff;
	v28 =	vtrunc.f32 v30  }
0x4d: {  	v32 =	vadd.s32 v23, v32;
	v16 =	vcvt.f32.s32 v16;
	v15 =	vmul.f32 v25, v15  }
0x4e: {  	v12 =	vsub.f32 v12, v35;
	v34 =	vtrunc.f32 v20;
	v9 =	vmul.f32 v9, v17  }
0x4f: {  	v52 =	vcvt.f32.s32 v28;
	v42 =	vsub.f32 $1.000000000e+00, v24;
	v36 =	vld.idx.msk [tilespmem:v7+s14+$0x0], $0xffff;
	v7 =	vcvt.f32.s32 v14  }
0x50: {  	vm2 =	vgt.f32 v24, $0.0e+00;
	v39 =	vcvt.s32.f32 v16;
	v41 =	vcvt.f32.s32 v34  }
0x51: {  	vm0 =	vgt.f32 v12, $0.0e+00;
	v56 =	vsel vm2, $0x1, v2;
	v14 =	vld.idx.msk [tilespmem:v10+s14+$0x0], $0xffff;
	v10 =	vtrunc.f32 v29  }
0x52: {  	v23 =	vld.idx.msk [tilespmem:v23+s3+$0x0], $0xffff;
	v40 =	vcvt.s32.f32 v52;
	v44 =	vsel vm0, $0x1, v2;
	v35 =	vadd.s32 v22, v56  }
0x53: {  	v25 =	vld.idx.msk [tilespmem:v27+s3+$0x0], $0xffff;
	v63 =	vcvt.f32.s32 v10;
	v21 =	vsub.f32 v21, v39;
	v18 =	vmul.f32 v26, v18  }
0x54: {  	v10 =	vsub.f32 $1.000000000e+00, v12;
	v12 =	vnsel vm0, $0x3F800000, v12;
	vm0 =	vgt.f32 v8, $0.0e+00  }
0x55: {  	v26 =	vsub.f32 $1.000000000e+00, v11;
	v11 =	vcvt.s32.f32 v7;
	v15 =	vadd.f32 v18, v15;
	v18 =	vld [tilespmem:s22+$0x10]  }
0x56: {  	v30 =	vsub.f32 v30, v40;
	vm1 =	vgt.f32 v21, $0.0e+00;
	v51 =	vtrunc.f32 v14  }
0x57: {  	v27 =	vtrunc.f32 v36;
	v17 =	vsel vm1, $0x1, v2;
	v34 =	vcvt.f32.s32 v51  }
0x58: {  	v23 =	vmul.f32 v26, v23;
	v28 =	vadd.s32 v16, v17;
	v17 =	vmul.f32 v37, v25  }
0x59: {  	v13 =	vsub.f32 v13, v11;
	v25 =	vcvt.s32.f32 v63;
	v53 =	vcvt.s32.f32 v34  }
0x5a: {  	v26 =	vsub.f32 $1.000000000e+00, v21;
	v21 =	vnsel vm1, $0x3F800000, v21;
	v11 =	vmul.f32 v15, v18;
	v15 =	vld.idx.msk [tilespmem:v22+s3+$0x0], $0xffff  }
0x5b: {  	vm3 =	vgt.f32 v13, $0.0e+00;
	v25 =	vsub.f32 v29, v25;
	v37 =	vsub.f32 v14, v53;
	v14 =	vld.idx.msk [tilespmem:v16+s3+$0x0], $0xffff  }
0x5c: {  	v40 =	vsub.f32 $1.000000000e+00, v30;
	v43 =	vadd.f32 v17, v9;
	v9 =	vsel vm3, $0x1, v2;
	v18 =	vld.idx.msk [tilespmem:v32+s3+$0x0], $0xffff  }
0x5d: {  	v9 =	vadd.s32 v7, v9;
	vm1 =	vgt.f32 v25, $0.0e+00;
	vm4 =	vgt.f32 v37, $0.0e+00  }
0x5e: {  	v46 =	vnsel vm1, $0x3F800000, v25;
	v16 =	vsel vm4, $0x1, v2;
	v54 =	vnsel vm4, $0x3F800000, v37  }
0x5f: {  	v37 =	vsub.f32 $1.000000000e+00, v37;
	v45 =	vadd.s32 v34, v16;
	v17 =	vmul.f32 v42, v15  }
0x60: {  	v16 =	vsub.f32 $1.000000000e+00, v13;
	v15 =	vcvt.s32.f32 v41;
	v55 =	vmul.f32 v26, v14  }
0x61: {  	v57 =	vld [tilespmem:s22+$0xFFFFFFE0];
	v13 =	vnsel vm3, $0x3F800000, v13;
	v14 =	vcvt.f32.s32 v38;
	v26 =	vmul.f32 v33, v18  }
0x62: {  	v34 =	vld.idx.msk [tilespmem:v34+s3+$0x0], $0xffff;
	v18 =	vcvt.s32.f32 v3;
	v29 =	vsub.f32 v20, v15;
	v20 =	vsel vm1, $0x1, v2  }
0x63: {  	v19 =	vld.idx.msk [tilespmem:v19+s14+$0x0], $0xffff;
	v15 =	vadd.s32 v6, v44;
	vm1 =	vgt.f32 v30, $0.0e+00;
	v23 =	vadd.f32 v26, v23  }
0x64: {  	v47 =	vcvt.s32.f32 v14;
	v26 =	vcvt.f32.s32 v27;
	v58 =	vadd.s32 v63, v20  }
0x65: {  	v27 =	vld.idx.msk [tilespmem:v28+s3+$0x0], $0xffff;
	v20 =	vsub.f32 $1.000000000e+00, v25;
	v59 =	vsel vm1, $0x1, v2;
	vm3 =	vgt.f32 v29, $0.0e+00  }
0x66: {  	v28 =	vld [tilespmem:s22+$0xFFFFFFD0];
	v31 =	vsub.f32 v31, v47;
	v25 =	vcvt.s32.f32 v26;
	v23 =	vmul.f32 v23, v57  }
0x67: {  	v45 =	vld.idx.msk [tilespmem:v45+s3+$0x0], $0xffff;
	v60 =	vsel vm3, $0x1, v2;
	v62 =	vmul.f32 v37, v34;
	v22 =	vnsel vm3, $0x3F800000, v29  }
0x68: {  	s18 =	sand.u32 $0x7, s23;
	s17 =	sshll.u32 s24, $0x2;
	v37 =	vld.idx.msk [tilespmem:v41+s3+$0x0], $0xffff;
	v38 =	vadd.s32 v41, v60;
	v41 =	vtrunc.f32 v19;
	vm15 =	vgt.f32 v31, $0.0e+00  }
0x69: {  	s1 =	sshll.u32 s18, $0x6;
	s0 =	sand.u32 $0xFFFFFE00, s17;
	v36 =	vsub.f32 v36, v25;
	v61 =	vmul.f32 v23, v20;
	v20 =	vsub.f32 $1.000000000e+00, v31  }
0x6a: {  	s0 =	sor.u32 s1, s0;
	v46 =	vmul.f32 v23, v46;
	v25 =	vnsel vm0, $0x3F800000, v8;
	v48 =	vmul.f32 v21, v27  }
0x6b: {  	s0 =	sshrl.u32 s0, $0x2;
	v34 =	vld.idx.msk [tilespmem:v52+s3+$0x0], $0xffff;
	v23 =	vmul.f32 v43, v28;
	vm5 =	vgt.f32 v36, $0.0e+00;
	v32 =	vsub.f32 $1.000000000e+00, v36  }
0x6c: {  	s0 =	sadd.s32 $0x11780, s0;
	[tilespmem:v63+s15+$0x0] =	vst.idx.add.f32.msk $0xffff, v61;
	v63 =	vnsel vm15, $0x3F800000, v31;
	v31 =	vnsel vm2, $0x3F800000, v24;
	v45 =	vmul.f32 v54, v45  }
0x6d: {  	v39 =	vld [tilespmem:s0+$0x0];
	v21 =	vsel vm5, $0x1, v2;
	v27 =	vnsel vm5, $0x3F800000, v36;
	v36 =	vadd.s32 v52, v59  }
0x6e: {  	s30 =	simm.s32 $0x80;
	s29 =	smov.u32 s22;
	[tilespmem:v58+s15+$0x0] =	vst.idx.add.f32.msk $0xffff, v46;
	v33 =	vadd.f32 v48, v55;
	v28 =	vadd.s32 v26, v21;
	v21 =	vsel vm15, $0x1, v2  }
0x6f: {  	s28 =	sand.u32 $0x70, s26;
	s1 =	sadd.s32 $0x80, s22;
	s31 =	sadd.s32 $0x80, s0;
	v24 =	vmul.f32 v23, v63;
	v21 =	vadd.s32 v14, v21;
	v42 =	vadd.f32 v45, v62  }
.LBB2_5:
0x70: {  	s13 =	sadd.s32 $0x10, s30  }
0x71: {  	s16 =	sadd.s32 $0x20, s30;
	s17 =	sadd.s32 $0x30, s30;
	v30 =	vnsel vm1, $0x3F800000, v30;
	v34 =	vmul.f32 v40, v34;
	v29 =	vsub.f32 $1.000000000e+00, v29;
	v40 =	vld [tilespmem:s29+$0x30];
	s0 =	smov.u32 s30  }
0x72: {  	s18 =	sadd.s32 $0x60, s30;
	v43 =	vmov s13;
	v44 =	vmov s16;
	s13 =	sadd.s32 $0x40, s30;
	s16 =	sadd.s32 $0x50, s30;
	v39 =	vmul.f32 v42, v39;
	v36 =	vld.idx.msk [tilespmem:v36+s3+$0x0], $0xffff  }
0x73: {  	p0 =	slt.u32 s30, $0x100;
	v41 =	vcvt.f32.s32 v41;
	s30 =	sadd.s32 $0x80, s30;
	v42 =	vmov s13;
	v45 =	vmov s16;
	s13 =	sadd.s32 $0x70, s0;
	v38 =	vld.idx.msk [tilespmem:v38+s3+$0x0], $0xffff  }
0x74: {  	v29 =	vmul.f32 v29, v37;
	v45 =	vshll.u32 v45, $0x7;
	v46 =	vmov s13  }
0x75: {  	v37 =	vshll.u32 v42, $0x7;
	v32 =	vmul.f32 v39, v32;
	v42 =	vor.u32 v1, v45;
	v35 =	vld.idx.msk [tilespmem:v35+s3+$0x0], $0xffff  }
0x76: {  	v47 =	vcvt.s32.f32 v41;
	v46 =	vshll.u32 v46, $0x7;
	v45 =	vor.u32 $0x1, v42  }
0x77: {  	v48 =	vmov s18;
	v43 =	vshll.u32 v43, $0x7;
	[tilespmem:v26+s15+$0x0] =	vst.idx.add.f32.msk $0xffff, v32;
	v32 =	vmul.f32 v33, v40  }
0x78: {  	v26 =	vor.u32 v1, v43;
	v33 =	vshll.u32 v44, $0x7;
	v40 =	vmov s17;
	v43 =	vld [tilespmem:s29+$0xFFFFFFF0]  }
0x79: {  	v47 =	vsub.f32 v19, v47;
	v44 =	vor.u32 $0x1, v26;
	v33 =	vor.u32 v1, v33;
	v49 =	vld [tilespmem:s29+$0x20]  }
0x7a: {  	v36 =	vmul.f32 v30, v36;
	v19 =	vshll.u32 v40, $0x7;
	v50 =	vor.u32 $0x1, v33;
	v40 =	vld [tilespmem:s29+$0x0];
	s29 =	smov.u32 s1  }
0x7b: {  	v51 =	vor.u32 v1, v19;
	v19 =	vshll.u32 v48, $0x7;
	v31 =	vmul.f32 v31, v35;
	v45 =	vld.idx.msk [tilespmem:v45+s14+$0x0], $0xffff  }
0x7c: {  	v38 =	vmul.f32 v22, v38;
	v35 =	vor.u32 $0x1, v51;
	v30 =	vld.idx.msk [tilespmem:v42+s14+$0x0], $0xffff;
	v42 =	vor.u32 v1, v19  }
0x7d: {  	v46 =	vor.u32 v1, v46;
	v19 =	vor.u32 v1, v37;
	v22 =	vld.idx.msk [tilespmem:v26+s14+$0x0], $0xffff;
	v37 =	vor.u32 $0x1, v42  }
0x7e: {  	v48 =	vor.u32 $0x1, v46;
	v29 =	vadd.f32 v38, v29;
	v26 =	vld.idx.msk [tilespmem:v33+s14+$0x0], $0xffff;
	v33 =	vor.u32 $0x1, v19  }
0x7f: {  	v39 =	vmul.f32 v39, v27;
	vm1 =	vgt.f32 v47, $0.0e+00;
	v38 =	vld.idx.msk [tilespmem:v50+s14+$0x0], $0xffff;
	v50 =	vsub.f32 $1.000000000e+00, v47  }
0x80: {  	v17 =	vadd.f32 v31, v17;
	v29 =	vmul.f32 v29, v40;
	v40 =	vsel vm0, $0x1, v2;
	v51 =	vld.idx.msk [tilespmem:v51+s14+$0x0], $0xffff  }
0x81: {  	v34 =	vadd.f32 v36, v34;
	v36 =	vsel vm1, $0x1, v2;
	v31 =	vld.idx.msk [tilespmem:v44+s14+$0x0], $0xffff;
	v44 =	vnsel vm1, $0x3F800000, v47  }
0x82: {  	v8 =	vsub.f32 $1.000000000e+00, v8;
	v17 =	vmul.f32 v17, v49;
	v27 =	vld.idx.msk [tilespmem:v35+s14+$0x0], $0xffff;
	v35 =	vadd.s32 v41, v36  }
0x83: {  	v18 =	vsub.f32 v4, v18;
	v47 =	vmul.f32 v29, v50;
	v36 =	vld.idx.msk [tilespmem:v42+s14+$0x0], $0xffff;
	v42 =	vmul.f32 v29, v44  }
0x84: {  	v8 =	vmul.f32 v17, v8;
	v17 =	vmul.f32 v17, v25;
	v29 =	vld.idx.msk [tilespmem:v33+s14+$0x0], $0xffff;
	v33 =	vadd.s32 v5, v40  }
0x85: {  	v16 =	vmul.f32 v11, v16;
	v25 =	vsub.f32 $1.000000000e+00, v18;
	[tilespmem:v28+s15+$0x0] =	vst.idx.add.f32.msk $0xffff, v39;
	v28 =	vmul.f32 v34, v43  }
0x86: {  	vm0 =	vgt.f32 v18, $0.0e+00;
	v34 =	vtrunc.f32 v51;
	v39 =	vtrunc.f32 v45;
	v4 =	vmovc v51;
	[tilespmem:v41+s15+$0x0] =	vst.idx.add.f32.msk $0xffff, v47  }
0x87: {  	v18 =	vnsel vm0, $0x3F800000, v18;
	v39 =	vcvt.f32.s32 v39;
	v25 =	vmul.f32 v28, v25;
	[tilespmem:v5+s15+$0x0] =	vst.idx.add.f32.msk $0xffff, v8  }
0x88: {  	v5 =	vtrunc.f32 v31;
	v8 =	vsel vm0, $0x1, v2;
	v18 =	vmul.f32 v28, v18;
	v40 =	vld.idx.msk [tilespmem:v48+s14+$0x0], $0xffff  }
0x89: {  	v28 =	vtrunc.f32 v30;
	v41 =	vtrunc.f32 v36;
	v43 =	vadd.s32 v3, v8;
	[tilespmem:v7+s15+$0x0] =	vst.idx.add.f32.msk $0xffff, v16  }
0x8a: {  	v10 =	vmul.f32 v32, v10;
	v8 =	vmul.f32 v23, v20;
	v7 =	vld.idx.msk [tilespmem:v37+s14+$0x0], $0xffff  }
0x8b: {  	v11 =	vmul.f32 v11, v13;
	v16 =	vcvt.s32.f32 v39;
	v20 =	vld.idx.msk [tilespmem:v46+s14+$0x0], $0xffff  }
0x8c: {  	v13 =	vcvt.f32.s32 v5;
	v5 =	vtrunc.f32 v38;
	[tilespmem:v3+s15+$0x0] =	vst.idx.add.f32.msk $0xffff, v25  }
0x8d: {  	v12 =	vmul.f32 v32, v12;
	v16 =	vsub.f32 v45, v16;
	v3 =	vcvt.f32.s32 v34;
	[tilespmem:v33+s15+$0x0] =	vst.idx.add.f32.msk $0xffff, v17  }
0x8e: {  	v17 =	vcvt.f32.s32 v5;
	v5 =	vcvt.f32.s32 v41;
	[tilespmem:v6+s15+$0x0] =	vst.idx.add.f32.msk $0xffff, v10  }
0x8f: {  	vm0 =	vgt.f32 v16, $0.0e+00;
	v6 =	vcvt.s32.f32 v13;
	v10 =	vsub.f32 $1.000000000e+00, v16;
	[tilespmem:v14+s15+$0x0] =	vst.idx.add.f32.msk $0xffff, v8  }
0x90: {  	v8 =	vsel vm0, $0x1, v2;
	v14 =	vnsel vm0, $0x3F800000, v16;
	v16 =	vtrunc.f32 v7;
	[tilespmem:v21+s15+$0x0] =	vst.idx.add.f32.msk $0xffff, v24  }
0x91: {  	v21 =	vcvt.s32.f32 v17;
	v23 =	vadd.s32 v39, v8;
	v24 =	vcvt.f32.s32 v16;
	[tilespmem:v15+s15+$0x0] =	vst.idx.add.f32.msk $0xffff, v12  }
0x92: {  	v8 =	vmov s0;
	v12 =	vsub.f32 v31, v6;
	v6 =	vtrunc.f32 v20;
	[tilespmem:v35+s15+$0x0] =	vst.idx.add.f32.msk $0xffff, v42  }
0x93: {  	v16 =	vcvt.s32.f32 v5;
	v8 =	vshll.u32 v8, $0x7;
	v6 =	vcvt.f32.s32 v6;
	v15 =	vld.idx.msk [tilespmem:v39+s3+$0x0], $0xffff  }
0x94: {  	v25 =	vor.u32 v1, v8;
	v31 =	vcvt.s32.f32 v24;
	vm0 =	vgt.f32 v12, $0.0e+00;
	[tilespmem:v9+s15+$0x0] =	vst.idx.add.f32.msk $0xffff, v11  }
0x95: {  	v8 =	vsub.f32 v36, v16;
	v9 =	vor.u32 $0x1, v25;
	v11 =	vsub.f32 v38, v21;
	[tilespmem:v43+s15+$0x0] =	vst.idx.add.f32.msk $0xffff, v18  }
0x96: {  	v16 =	vsel vm0, $0x1, v2;
	v31 =	vsub.f32 v7, v31;
	v7 =	vtrunc.f32 v40;
	v18 =	vld.idx.msk [tilespmem:v23+s3+$0x0], $0xffff  }
0x97: {  	v21 =	vtrunc.f32 v27;
	v16 =	vadd.s32 v13, v16;
	vm1 =	vgt.f32 v11, $0.0e+00;
	v19 =	vld.idx.msk [tilespmem:v19+s14+$0x0], $0xffff  }
0x98: {  	v33 =	vcvt.f32.s32 v7;
	v23 =	vsel vm1, $0x1, v2;
	v32 =	vnsel vm1, $0x3F800000, v11;
	v13 =	vld.idx.msk [tilespmem:v13+s3+$0x0], $0xffff  }
0x99: {  	v34 =	vtrunc.f32 v29;
	v35 =	vcvt.s32.f32 v6;
	v23 =	vadd.s32 v17, v23;
	v25 =	vld.idx.msk [tilespmem:v25+s14+$0x0], $0xffff  }
0x9a: {  	v37 =	vtrunc.f32 v22;
	v36 =	vnsel vm0, $0x3F800000, v12;
	v7 =	vcvt.f32.s32 v28;
	v9 =	vld.idx.msk [tilespmem:v9+s14+$0x0], $0xffff  }
0x9b: {  	v28 =	vtrunc.f32 v26;
	v20 =	vsub.f32 v20, v35;
	v38 =	vcvt.s32.f32 v33  }
0x9c: {  	v12 =	vsub.f32 $1.000000000e+00, v12;
	v10 =	vmul.f32 v10, v15;
	v14 =	vmul.f32 v14, v18;
	v16 =	vld.idx.msk [tilespmem:v16+s3+$0x0], $0xffff  }
0x9d: {  	v28 =	vcvt.f32.s32 v28;
	v15 =	vsub.f32 $1.000000000e+00, v11;
	v18 =	vsub.f32 v40, v38;
	v17 =	vld.idx.msk [tilespmem:v17+s3+$0x0], $0xffff  }
0x9e: {  	v11 =	vcvt.s32.f32 v7;
	v40 =	vcvt.f32.s32 v34;
	v14 =	vadd.f32 v14, v10  }
0x9f: {  	vm1 =	vgt.f32 v18, $0.0e+00;
	v10 =	vsub.f32 $1.000000000e+00, v20;
	v34 =	vtrunc.f32 v25;
	v35 =	vld [tilespmem:s1+$0x10]  }
0xa0: {  	v12 =	vmul.f32 v12, v13;
	v13 =	vsel vm1, $0x1, v2;
	v38 =	vtrunc.f32 v9  }
0xa1: {  	v41 =	vcvt.f32.s32 v21;
	v21 =	vadd.s32 v33, v13;
	v38 =	vcvt.f32.s32 v38;
	v23 =	vld.idx.msk [tilespmem:v23+s3+$0x0], $0xffff  }
0xa2: {  	v30 =	vsub.f32 v30, v11;
	v13 =	vmul.f32 v36, v16;
	v36 =	vcvt.s32.f32 v28  }
0xa3: {  	v42 =	vsub.f32 $1.000000000e+00, v31;
	v39 =	vcvt.s32.f32 v41;
	v16 =	vcvt.s32.f32 v38  }
0xa4: {  	vm0 =	vgt.f32 v20, $0.0e+00;
	v43 =	vadd.f32 v13, v12;
	v11 =	vmul.f32 v14, v35;
	v14 =	vld.idx.msk [tilespmem:v24+s3+$0x0], $0xffff  }
0xa5: {  	v44 =	vsel vm0, $0x1, v2;
	vm3 =	vgt.f32 v30, $0.0e+00;
	v35 =	vsub.f32 v9, v16;
	v33 =	vld.idx.msk [tilespmem:v33+s3+$0x0], $0xffff  }
0xa6: {  	vm2 =	vgt.f32 v31, $0.0e+00;
	v15 =	vmul.f32 v15, v17;
	v9 =	vsel vm3, $0x1, v2  }
0xa7: {  	v45 =	vsub.f32 $1.000000000e+00, v18;
	v9 =	vadd.s32 v7, v9;
	vm4 =	vgt.f32 v35, $0.0e+00  }
0xa8: {  	v12 =	vnsel vm0, $0x3F800000, v20;
	v13 =	vsel vm4, $0x1, v2;
	v46 =	vnsel vm4, $0x3F800000, v35  }
0xa9: {  	v16 =	vsub.f32 $1.000000000e+00, v30;
	v20 =	vadd.s32 v38, v13;
	v13 =	vnsel vm3, $0x3F800000, v30  }
0xaa: {  	vm0 =	vgt.f32 v8, $0.0e+00;
	v17 =	vmul.f32 v42, v14;
	v42 =	vnsel vm1, $0x3F800000, v18  }
0xab: {  	v36 =	vsub.f32 v26, v36;
	v26 =	vcvt.s32.f32 v40;
	v33 =	vmul.f32 v45, v33  }
0xac: {  	v23 =	vmul.f32 v32, v23;
	v14 =	vcvt.f32.s32 v37;
	v37 =	vsel vm2, $0x1, v2  }
0xad: {  	v29 =	vsub.f32 v29, v26;
	vm1 =	vgt.f32 v36, $0.0e+00;
	v18 =	vcvt.s32.f32 v3;
	v32 =	vld [tilespmem:s1+$0xFFFFFFE0]  }
0xae: {  	v23 =	vadd.f32 v23, v15;
	v45 =	vsel vm1, $0x1, v2;
	v47 =	vnsel vm1, $0x3F800000, v36;
	v20 =	vld.idx.msk [tilespmem:v20+s3+$0x0], $0xffff  }
0xaf: {  	v30 =	vsub.f32 v27, v39;
	v15 =	vadd.s32 v6, v44;
	v48 =	vcvt.s32.f32 v14  }
0xb0: {  	v26 =	vcvt.f32.s32 v34;
	vm3 =	vgt.f32 v29, $0.0e+00;
	v39 =	vadd.s32 v28, v45;
	v21 =	vld.idx.msk [tilespmem:v21+s3+$0x0], $0xffff  }
0xb1: {  	vm1 =	vgt.f32 v30, $0.0e+00;
	v45 =	vsub.f32 v22, v48;
	v22 =	vsub.f32 $1.000000000e+00, v36;
	v44 =	vld [tilespmem:s1+$0xFFFFFFD0]  }
0xb2: {  	v35 =	vsub.f32 $1.000000000e+00, v35;
	v27 =	vcvt.s32.f32 v26;
	v36 =	vld.idx.msk [tilespmem:v38+s3+$0x0], $0xffff;
	v23 =	vmul.f32 v23, v32  }
0xb3: {  	v48 =	vsel vm3, $0x1, v2;
	vm4 =	vgt.f32 v45, $0.0e+00;
	v38 =	vsel vm1, $0x1, v2  }
0xb4: {  	v27 =	vsub.f32 v25, v27;
	v46 =	vmul.f32 v46, v20;
	v22 =	vmul.f32 v23, v22  }
0xb5: {  	v25 =	vnsel vm0, $0x3F800000, v8;
	v20 =	vsub.f32 $1.000000000e+00, v45;
	v47 =	vmul.f32 v23, v47;
	v34 =	vld.idx.msk [tilespmem:v41+s3+$0x0], $0xffff  }
0xb6: {  	vm5 =	vgt.f32 v27, $0.0e+00;
	v32 =	vsub.f32 $1.000000000e+00, v27;
	v42 =	vmul.f32 v42, v21;
	[tilespmem:v28+s15+$0x0] =	vst.idx.add.f32.msk $0xffff, v22  }
0xb7: {  	v27 =	vnsel vm5, $0x3F800000, v27;
	v21 =	vsel vm5, $0x1, v2;
	v23 =	vmul.f32 v43, v44;
	[tilespmem:v39+s15+$0x0] =	vst.idx.add.f32.msk $0xffff, v47  }
.Ltmp1:
0xb8: {  	v28 =	vadd.s32 v26, v21;
	v21 =	vsel vm4, $0x1, v2;
	v43 =	vmul.f32 v35, v36;
	(pc) =	sbr.rel @p0 .LBB2_5-.Ltmp1, $4  }
0xb9: {  	v21 =	vadd.s32 v14, v21;
	v36 =	vadd.s32 v41, v38;
	v35 =	vadd.s32 v24, v37;
	v39 =	vld [tilespmem:s31+$0x0]  }
0xba: {  	v22 =	vnsel vm3, $0x3F800000, v29;
	v38 =	vadd.s32 v40, v48;
	v33 =	vadd.f32 v42, v33;
	v37 =	vld.idx.msk [tilespmem:v40+s3+$0x0], $0xffff  }
0xbb: {  	v31 =	vnsel vm2, $0x3F800000, v31;
	v24 =	vnsel vm4, $0x3F800000, v45;
	v40 =	vsub.f32 $1.000000000e+00, v30  }
0xbc: {  	s1 =	sadd.s32 $0x80, s1;
	v41 =	vtrunc.f32 v19;
	v24 =	vmul.f32 v23, v24;
	v42 =	vadd.f32 v46, v43;
	s31 =	sadd.s32 $0x80, s31  }
0xbd: {  	_ =	sdelay $0x3  }
0xbe: {  	v38 =	vld.idx.msk [tilespmem:v38+s3+$0x0], $0xffff  }
0xbf: {  	v35 =	vld.idx.msk [tilespmem:v35+s3+$0x0], $0xffff  }
0xc0: {  	v36 =	vld.idx.msk [tilespmem:v36+s3+$0x0], $0xffff  }
0xc1: {  	v41 =	vcvt.f32.s32 v41;
	v29 =	vsub.f32 $1.000000000e+00, v29;
	v43 =	vld [tilespmem:s29+$0x0];
	v34 =	vmul.f32 v40, v34  }
0xc2: {  	v62 =	vld [tilespmem:s29+$0x30];
	v63 =	vsel vm0, $0x1, v2;
	v16 =	vmul.f32 v11, v16;
	v49 =	vmul.f32 v23, v20  }
0xc3: {  	v59 =	vld [tilespmem:s29+$0x20];
	v4 =	vsub.f32 v4, v18;
	v54 =	vmul.f32 v11, v13;
	v39 =	vmul.f32 v42, v39  }
0xc4: {  	v60 =	vld [tilespmem:s29+$0xFFFFFFF0];
	v42 =	vadd.s32 v5, v63;
	v58 =	vcvt.s32.f32 v41;
	v29 =	vmul.f32 v29, v37  }
0xc5: {  	v30 =	vnsel vm1, $0x3F800000, v30;
	[tilespmem:v7+s15+$0x0] =	vst.idx.add.f32.msk $0xffff, v16;
	v32 =	vmul.f32 v39, v32;
	v27 =	vmul.f32 v39, v27  }
0xc6: {  	[tilespmem:v14+s15+$0x0] =	vst.idx.add.f32.msk $0xffff, v49;
	v22 =	vmul.f32 v22, v38;
	v30 =	vmul.f32 v30, v36  }
0xc7: {  	v8 =	vsub.f32 $1.000000000e+00, v8;
	[tilespmem:v21+s15+$0x0] =	vst.idx.add.f32.msk $0xffff, v24;
	v31 =	vmul.f32 v31, v35;
	v45 =	vmul.f32 v33, v62  }
0xc8: {  	vm13 =	vgt.f32 v4, $0.0e+00;
	[tilespmem:v9+s15+$0x0] =	vst.idx.add.f32.msk $0xffff, v54;
	v22 =	vadd.f32 v22, v29;
	v30 =	vadd.f32 v30, v34  }
0xc9: {  	v19 =	vsub.f32 v19, v58;
	v17 =	vadd.f32 v31, v17;
	v48 =	vmul.f32 v45, v10  }
0xca: {  	[tilespmem:v26+s15+$0x0] =	vst.idx.add.f32.msk $0xffff, v32;
	v22 =	vmul.f32 v22, v43;
	v43 =	vsub.f32 $1.000000000e+00, v4;
	v44 =	vmul.f32 v30, v60  }
0xcb: {  	v61 =	vsub.f32 $1.000000000e+00, v19;
	[tilespmem:v28+s15+$0x0] =	vst.idx.add.f32.msk $0xffff, v27;
	vm12 =	vgt.f32 v19, $0.0e+00;
	v52 =	vmul.f32 v45, v12  }
0xcc: {  	v47 =	vsel vm12, $0x1, v2;
	v17 =	vmul.f32 v17, v59;
	[tilespmem:v6+s15+$0x0] =	vst.idx.add.f32.msk $0xffff, v48;
	v27 =	vmul.f32 v44, v43  }
0xcd: {  	v50 =	vsel vm13, $0x1, v2;
	v7 =	vadd.s32 v41, v47;
	[tilespmem:v15+s15+$0x0] =	vst.idx.add.f32.msk $0xffff, v52;
	v40 =	vmul.f32 v22, v61  }
0xce: {  	v8 =	vmul.f32 v17, v8;
	[tilespmem:v3+s15+$0x0] =	vst.idx.add.f32.msk $0xffff, v27;
	v3 =	vadd.s32 v3, v50  }
0xcf: {  	v53 =	vor.u32 $0xC001, v1;
	v51 =	vnsel vm12, $0x3F800000, v19;
	v46 =	vmul.f32 v17, v25;
	[tilespmem:v41+s15+$0x0] =	vst.idx.add.f32.msk $0xffff, v40  }
0xd0: {  	v4 =	vnsel vm13, $0x3F800000, v4;
	v6 =	vmul.f32 v22, v51;
	[tilespmem:v5+s15+$0x0] =	vst.idx.add.f32.msk $0xffff, v8  }
0xd1: {  	v4 =	vmul.f32 v44, v4;
	[tilespmem:v42+s15+$0x0] =	vst.idx.add.f32.msk $0xffff, v46  }
0xd2: {  	[tilespmem:v7+s15+$0x0] =	vst.idx.add.f32.msk $0xffff, v6  }
0xd3: {  	[tilespmem:v3+s15+$0x0] =	vst.idx.add.f32.msk $0xffff, v4  }
0xd4: {  	v3 =	vld.idx.msk [tilespmem:v53+s14+$0x0], $0xffff;
	_ =	sdelay $0x4  }
0xd5: {  	v55 =	vtrunc.f32 v3  }
0xd6: {  	v4 =	vcvt.f32.s32 v55;
	_ =	sdelay $0x1  }
0xd7: {  	v56 =	vcvt.s32.f32 v4  }
0xd8: {  	v57 =	vor.u32 $0xC000, v1  }
0xd9: {  	v3 =	vsub.f32 v3, v56;
	_ =	sdelay $0x1  }
0xda: {  	vm14 =	vgt.f32 v3, $0.0e+00  }
0xdb: {  	v58 =	vsel vm14, $0x1, v2  }
0xdc: {  	v6 =	vld.idx.msk [tilespmem:v57+s14+$0x0], $0xffff;
	v5 =	vadd.s32 v4, v58;
	_ =	sdelay $0x3  }
0xdd: {  	v4 =	vld.idx.msk [tilespmem:v4+s3+$0x0], $0xffff  }
0xde: {  	v59 =	vtrunc.f32 v6;
	v5 =	vld.idx.msk [tilespmem:v5+s3+$0x0], $0xffff  }
0xdf: {  	v7 =	vcvt.f32.s32 v59  }
0xe0: {  	s0 =	sand.u32 $0x7F80, s26  }
0xe1: {  	s0 =	sor.u32 s28, s0;
	v61 =	vcvt.s32.f32 v7;
	v60 =	vsub.f32 $1.000000000e+00, v3  }
0xe2: {  	v10 =	vld [tilespmem:s0+$0x11900];
	v3 =	vnsel vm14, $0x3F800000, v3  }
0xe3: {  	v6 =	vsub.f32 v6, v61;
	v4 =	vmul.f32 v60, v4;
	v3 =	vmul.f32 v3, v5;
	_ =	sdelay $0x1  }
0xe4: {  	vm15 =	vgt.f32 v6, $0.0e+00;
	v3 =	vadd.f32 v3, v4  }
0xe5: {  	s25 =	sadd.s32 $0x1, s25;
	v62 =	vsel vm15, $0x1, v2  }
0xe6: {  	p0 =	sne.s32 s25, $0x32;
	v63 =	vsub.f32 $1.000000000e+00, v6;
	v4 =	vadd.s32 v7, v62;
	v3 =	vmul.f32 v3, v10  }
.Ltmp2:
0xe7: {  	_ = 	snop;
	(pc) =	sbr.rel @p0 .LBB2_4-.Ltmp2, $4  }
0xe8: {  	v6 =	vnsel vm15, $0x3F800000, v6;
	v5 =	vmul.f32 v3, v63  }
0xe9: {  	v3 =	vmul.f32 v3, v6  }
0xea: {  	[tilespmem:v7+s15+$0x0] =	vst.idx.add.f32.msk $0xffff, v5  }
0xeb: {  	s24 =	sadd.s32 $0x190, s24;
	s23 =	sadd.s32 $0x1, s23;
	s22 =	sadd.s32 $0x190, s22;
	[tilespmem:v4+s15+$0x0] =	vst.idx.add.f32.msk $0xffff, v3  }
0xec: {  	s0 =	simm.s32 $0x80;
	s1 =	simm.s32 $0x400  }
0xed: {  	[spmem:s8] =	stream.strided.scatter [tilespmem:s15], [sflag:$0x1], $0x2800, s1, s0, $0x38;
	[tilespmem:$0x1BB00] =	vst v63  }
0xee: {  	_ =	swait.ge [sflag:s12], $0x2800  }
0xef: {  	[sflag:s12] =	ssyncset.done $0x0  }
0xf0: {  	[sflag:s12] =	ssyncadd.s32 $0xFFFFD800  }
0xf1: {  	s28 =	simm.s32 $0x16600;
	s29 =	simm.s32 $0x0;
	[bflag:$0x0] =	sbarrier.arrive $0xFFFF  }
0xf2: {  	[tilespmem:s28], [sflag:$0x1] =	stream.linear.gather [spmem:s9], $0x2800, $0x38;
	[tilespmem:$0x1BB00] =	vst v63  }
0xf3: {  	s30 =	sand.u32 $0x70, s29;
	s0 =	sand.u32 $0x3C00, s29;
	_ =	swait.ge [sflag:s12], $0x2800  }
0xf4: {  	s0 =	sor.u32 s30, s0;
	[sflag:s12] =	ssyncset.done $0x0  }
0xf5: {  	s1 =	sadd.s32 $0x16600, s0;
	[sflag:s12] =	ssyncadd.s32 $0xFFFFD800  }
0xf6: {  	v3 =	vld [tilespmem:s1+$0x80]  }
0xf7: {  	v4 =	vld [tilespmem:s0+$0x16600];
	_ =	sdelay $0x1  }
0xf8: {  	v5 =	vld [tilespmem:s1+$0x100];
	_ =	sdelay $0x1  }
0xf9: {  	v6 =	vld [tilespmem:s1+$0x180]  }
0xfa: {  	v3 =	vadd.f32 v3, v4  }
0xfb: {  	v4 =	vld [tilespmem:s1+$0x200]  }
0xfc: {  	v3 =	vadd.f32 v5, v3  }
0xfd: {  	v5 =	vld [tilespmem:s1+$0x280]  }
0xfe: {  	v3 =	vadd.f32 v6, v3  }
0xff: {  	v63 =	vld [tilespmem:s1+$0x300]  }
0x100: {  	v3 =	vadd.f32 v4, v3  }
0x101: {  	v4 =	vld [tilespmem:s1+$0x380]  }
0x102: {  	v3 =	vadd.f32 v5, v3;
	_ =	sdelay $0x1  }
0x103: {  	v3 =	vadd.f32 v63, v3  }
0x104: {  	s31 =	simm.s32 $0x10;
	s1 =	simm.s32 $0x80  }
0x105: {  	s13 =	sand.u32 $0x70, s31;
	s16 =	sand.u32 $0x3C00, s1;
	v3 =	vadd.f32 v4, v3  }
0x106: {  	s21 =	simm.s32 $0x20;
	s0 =	simm.s32 $0x18E00;
	s22 =	sor.u32 s13, s16  }
.LBB2_8:
0x107: {  	p0 =	sne.s32 s21, $0x4F0;
	s13 =	sadd.s32 $0x16600, s22;
	[tilespmem:s0+$0x0] =	vst v3  }
0x108: {  	v3 =	vld [tilespmem:s13+$0x80]  }
0x109: {  	v4 =	vld [tilespmem:s22+$0x16600];
	_ =	sdelay $0x1  }
0x10a: {  	v5 =	vld [tilespmem:s13+$0x100];
	_ =	sdelay $0x1  }
0x10b: {  	v6 =	vld [tilespmem:s13+$0x180]  }
0x10c: {  	v3 =	vadd.f32 v3, v4  }
0x10d: {  	v4 =	vld [tilespmem:s13+$0x200]  }
0x10e: {  	v3 =	vadd.f32 v5, v3  }
0x10f: {  	v5 =	vld [tilespmem:s13+$0x280]  }
0x110: {  	v3 =	vadd.f32 v6, v3  }
0x111: {  	v6 =	vld [tilespmem:s13+$0x300]  }
0x112: {  	v3 =	vadd.f32 v4, v3  }
0x113: {  	v4 =	vld [tilespmem:s13+$0x380]  }
0x114: {  	v3 =	vadd.f32 v5, v3  }
.Ltmp3:
0x115: {  	(pc) =	sbr.rel @p0 .LBB2_8-.Ltmp3, $4  }
0x116: {  	v3 =	vadd.f32 v6, v3  }
0x117: {  	s1 =	sadd.s32 $0x80, s1  }
0x118: {  	s16 =	sand.u32 $0x3C00, s1;
	s13 =	sand.u32 $0x70, s21;
	v3 =	vadd.f32 v4, v3  }
0x119: {  	s0 =	sadd.s32 $0x10, s0;
	s21 =	sadd.s32 $0x10, s21;
	s22 =	sor.u32 s13, s16  }
0x11a: {  	s1 =	sadd.s32 $0x16600, s22;
	[tilespmem:s0+$0x0] =	vst v3  }
0x11b: {  	v3 =	vld [tilespmem:s1+$0x80]  }
0x11c: {  	v4 =	vld [tilespmem:s22+$0x16600];
	_ =	sdelay $0x1  }
0x11d: {  	v5 =	vld [tilespmem:s1+$0x100];
	_ =	sdelay $0x1  }
0x11e: {  	v6 =	vld [tilespmem:s1+$0x180]  }
0x11f: {  	v3 =	vadd.f32 v3, v4  }
0x120: {  	v60 =	vld [tilespmem:s1+$0x200]  }
0x121: {  	v3 =	vadd.f32 v5, v3  }
0x122: {  	v61 =	vld [tilespmem:s1+$0x280]  }
0x123: {  	v3 =	vadd.f32 v6, v3  }
0x124: {  	v62 =	vld [tilespmem:s1+$0x300]  }
0x125: {  	v3 =	vadd.f32 v60, v3  }
0x126: {  	v63 =	vld [tilespmem:s1+$0x380]  }
0x127: {  	v3 =	vadd.f32 v61, v3;
	_ =	sdelay $0x1  }
0x128: {  	v3 =	vadd.f32 v62, v3;
	_ =	sdelay $0x1  }
0x129: {  	s20 =	sadd.s32 $0x1, s20;
	v3 =	vadd.f32 v63, v3  }
0x12a: {  	s31 =	sadd.s32 $0x10, s0;
	p0 =	sne.s32 s20, s11  }
.Ltmp4:
0x12b: {  	[tilespmem:s31+$0x0] =	vst v3;
	(pc) =	sbr.rel @p0 .LBB2_1-.Ltmp4, $4  }
0x12c: {  	[hbm4b:s10+s3] =	stream.linear.scatter [tilespmem:s19], [sflag:$0x1], $0x500, $0x38;
	[tilespmem:$0x1BB00] =	vst v63  }
0x12d: {  	_ =	swait.ge [sflag:s12], $0x500  }
0x12e: {  	[sflag:s12] =	ssyncset.done $0x0  }
0x12f: {  	[sflag:s12] =	ssyncadd.s32 $0xFFFFFB00  }
0x130: {  	_ =	sfence.sel $0x180000  }
0x131: {  	[bflag:$0x0] =	sbarrier.arrive $0xFFFF  }
0x132: {  	_ =	strace $0x90000047  }
0x133: {  	s0 =	stileid.u32;
	[bflag:$0x2] =	sbarrier.arrive $0xFFFF  }
0x134: {  	p0 =	sne.s32 s0, $0x0;
	s0 =	rddreg [dreg:$0x2]  }
0x135: {  	s0 =	sadd.s32 @!p0 $0x100000, s0  }
0x136: {  	[sflag:s0] =	ssyncadd.tile.s32 @!p0 $0x1;
	_ =	shalt  }
.Lfunc_end2:
_tile_overlayer_lowered:
.L_overlay_start_2:
0x137: {  	(tag) =	ssettag $0x2  }
0x138: {  	s0 =	rddreg [dreg:$0x0];
	s2 =	stileid.u32  }
0x139: {  	s1 =	rddreg [dreg:$0x1];
	p0 =	sne.s32 s2, $0x0  }
0x13a: {  	s3 =	rddreg [dreg:$0x2];
	[bflag:$0x3] =	sbarrier.arrive $0xFFFF;
	s2 =	simm.s32 @!p0 $0x1C01  }
0x13b: {  	[timem:s3], [sflag:s2] =	dma.local @!p0 [hbm:s0], s1  }
0x13c: {  	s0 =	simm.s32 @!p0 $0x1  }
0x13d: {  	_ =	swait.ge @!p0 [sflag:s0], s1  }
0x13e: {  	s1 =	ssub.s32 @!p0 $0x0, s1;
	[sflag:s0] =	ssyncset.done @!p0 $0x0  }
0x13f: {  	[sflag:s0] =	ssyncadd.s32 @!p0 s1  }
0x140: {  	[bflag:$0x3] =	sbarrier.arrive $0xFFFF  }
0x141: {  	_ =	shalt  }

</sc_bundles>
